<compile_context>
chip_gen: v7x
topology: tpu7x:2x2x1
jax: 0.10.2.dev20260603
libtpu: 0.0.44.dev20260713+nightly
codegen_flags: <defaults>
</compile_context>

<pallas_src>
import functools

import jax
import jax.numpy as jnp
from jax import lax
from jax.experimental import pallas as pl
from jax.experimental.pallas import tpu as pltpu
from jax.experimental.pallas import tpu_sc as plsc


def _gather_rows_sc(table, raw_idx, kk):
    n_rows, d = table.shape
    s = raw_idx.shape[0]
    info = plsc.get_sparse_core_info()
    nc, ns = info.num_cores, info.num_subcores
    nw = nc * ns
    lanes = info.num_lanes
    assert s % nw == 0 and d % lanes == 0 and (s // nw) % lanes == 0
    b_per_w = s // nw
    mesh = plsc.VectorSubcoreMesh(core_axis_name="c", subcore_axis_name="s")

    @functools.partial(
        pl.kernel,
        out_type=jax.ShapeDtypeStruct((s, d), table.dtype),
        mesh=mesh,
        scratch_types=[
            pltpu.VMEM((b_per_w,), jnp.int32),
            pltpu.VMEM((b_per_w,), jnp.int32),
            pltpu.VMEM((b_per_w, d), table.dtype),
            pltpu.SemaphoreType.DMA,
        ],
    )
    def gather_kernel(table_hbm, idx_hbm, out_hbm, raw_v, idx_v, rows_v, sem):
        wid = lax.axis_index("s") * nc + lax.axis_index("c")
        base = wid * b_per_w
        pltpu.sync_copy(idx_hbm.at[pl.ds(base, b_per_w)], raw_v)
        shift = kk.bit_length() - 1
        for i in range(b_per_w // lanes):
            sl = pl.ds(i * lanes, lanes)
            idx_v[sl] = lax.shift_right_logical(raw_v[sl], shift)
        pltpu.async_copy(table_hbm.at[idx_v], rows_v, sem).wait()
        pltpu.sync_copy(rows_v, out_hbm.at[pl.ds(base, b_per_w)])

    return gather_kernel(table, raw_idx)


def _work_list(sei, n_experts, blk):
    s = sei.shape[0]
    nb = s // blk
    nw = nb + n_experts - 1
    blocks = sei.reshape(nb, blk)
    first = blocks[:, 0].astype(jnp.int32)
    last = blocks[:, -1].astype(jnp.int32)
    counts = last - first + 1
    b_ids = jnp.arange(nb, dtype=jnp.int32)
    cum = jnp.sum(
        (b_ids[None, :] <= b_ids[:, None]).astype(jnp.int32)
        * counts[None, :], axis=1)
    total = cum[-1]
    cumstart = cum - counts
    w_ids = jnp.arange(nw, dtype=jnp.int32)
    blk_of_w = jnp.minimum(
        jnp.sum((cum[None, :] <= w_ids[:, None]).astype(jnp.int32), axis=1),
        nb - 1,
    ).astype(jnp.int32)
    oh = (blk_of_w[:, None] == jnp.arange(nb, dtype=jnp.int32)[None, :])
    ohi = oh.astype(jnp.int32)
    first_sel = jnp.sum(ohi * first[None, :], axis=1)
    cumstart_sel = jnp.sum(ohi * cumstart[None, :], axis=1)
    cum_sel = jnp.sum(ohi * cum[None, :], axis=1)
    expert_w = first_sel + (w_ids - cumstart_sel)
    valid_w = w_ids < total
    expert_w = jnp.where(valid_w, expert_w, last[nb - 1]).astype(jnp.int32)
    first_w = ((w_ids == cumstart_sel) & valid_w).astype(jnp.int32)
    last_w = ((w_ids == cum_sel - 1) & valid_w).astype(jnp.int32)
    return blk_of_w, expert_w, first_w, last_w, valid_w.astype(jnp.int32), nw


_NBUF = 4


def _fetch_schedule(exp_w, nw):
    prev = jnp.concatenate([exp_w[:1] - 1, exp_w[:-1]])
    run_start = (exp_w != prev).astype(jnp.int32)
    r_ids = jnp.arange(nw, dtype=jnp.int32)
    rid = jnp.sum(
        (r_ids[None, :] <= r_ids[:, None]).astype(jnp.int32)
        * run_start[None, :], axis=1) - 1
    nrun = rid[-1] + 1
    starts = (rid[None, :] == r_ids[:, None]) & (run_start[None, :] == 1)
    run_expert = jnp.sum(starts.astype(jnp.int32) * exp_w[None, :], axis=1)
    use_slot = (rid % _NBUF).astype(jnp.int32)
    jw = rid + _NBUF - 1
    iss_val = (run_start == 1) & (jw < nrun)
    jm = jnp.minimum(jw, nw - 1)
    iss_exp = jnp.sum(
        ((rid[None, :] == jm[:, None]) & (run_start[None, :] == 1)).astype(
            jnp.int32) * exp_w[None, :], axis=1)
    iss_slot = (jw % _NBUF).astype(jnp.int32)
    return (run_start, use_slot, iss_val.astype(jnp.int32), iss_exp,
            iss_slot, run_expert,
            jnp.full((1,), nrun, jnp.int32))


def _make_fused_body(blk, kk, d_out):
    tok = blk // kk

    def body(blk_r, exp_r, fst_r, lst_r, vld_r, wait_r, slot_r, iv_r, ie_r,
             is_r, rexp_r, nrun_r, x_ref, w_hbm, sg_ref, out_ref,
             acc_ref, wbufs, sems):
        w = pl.program_id(0)

        @pl.when(w == 0)
        def _():
            for i in range(_NBUF - 1):
                @pl.when(i < nrun_r[0])
                def _():
                    pltpu.make_async_copy(
                        w_hbm.at[rexp_r[i]], wbufs.at[i], sems.at[i]).start()

        @pl.when(iv_r[w] == 1)
        def _():
            pltpu.make_async_copy(
                w_hbm.at[ie_r[w]], wbufs.at[is_r[w]], sems.at[is_r[w]]
            ).start()

        slot = slot_r[w]
        e = exp_r[w]

        @pl.when(wait_r[w] == 1)
        def _():
            pltpu.make_async_copy(
                w_hbm.at[e], wbufs.at[slot], sems.at[slot]).wait()

        @pl.when(vld_r[w] == 1)
        def _():
            sg = sg_ref[...]
            mask = (sg[:, 0:1] == e.astype(jnp.float32)).astype(jnp.float32)
            xm = x_ref[...] * (mask * sg[:, 1:2])
            contrib = lax.dot_general(
                xm, wbufs[slot], (((1,), (1,)), ((), ())),
                preferred_element_type=jnp.float32,
            )

            @pl.when(fst_r[w] == 1)
            def _():
                acc_ref[...] = contrib

            @pl.when(fst_r[w] == 0)
            def _():
                acc_ref[...] += contrib

            @pl.when(lst_r[w] == 1)
            def _():
                rows = lax.broadcasted_iota(jnp.int32, (tok, blk), 0)
                cols = lax.broadcasted_iota(jnp.int32, (tok, blk), 1)
                pair = (cols // kk == rows).astype(jnp.float32)
                out_ref[...] = lax.dot_general(
                    pair, acc_ref[...], (((1,), (0,)), ((), ())),
                    preferred_element_type=jnp.float32,
                )

    return body


def _grouped_matmul_combine(xg, weight, sei, gates, blk=256, interpret=False):
    s, d_in = xg.shape
    n_experts, d_out, _ = weight.shape
    t, kk = gates.shape
    assert blk % kk == 0 and s % blk == 0
    blk_w, exp_w, fst_w, lst_w, vld_w, nw = _work_list(sei, n_experts, blk)
    sched = _fetch_schedule(exp_w, nw)
    sg = jnp.stack(
        [sei.astype(jnp.float32), gates.reshape(s).astype(jnp.float32)],
        axis=1)
    tok = blk // kk
    grid_spec = pltpu.PrefetchScalarGridSpec(
        num_scalar_prefetch=12,
        grid=(nw,),
        in_specs=[
            pl.BlockSpec((blk, d_in), lambda w, *r: (r[0][w], 0)),
            pl.BlockSpec(memory_space=pl.ANY),
            pl.BlockSpec((blk, 2), lambda w, *r: (r[0][w], 0)),
        ],
        out_specs=pl.BlockSpec((tok, d_out), lambda w, *r: (r[0][w], 0)),
        scratch_shapes=[
            pltpu.VMEM((blk, d_out), jnp.float32),
            pltpu.VMEM((_NBUF, d_out, d_in), jnp.float32),
            pltpu.SemaphoreType.DMA((_NBUF,)),
        ],
    )
    return pl.pallas_call(
        _make_fused_body(blk, kk, d_out),
        grid_spec=grid_spec,
        out_shape=jax.ShapeDtypeStruct((t, d_out), jnp.float32),
        compiler_params=pltpu.CompilerParams(
            dimension_semantics=("arbitrary",)),
        interpret=interpret,
    )(blk_w, exp_w, fst_w, lst_w, vld_w, *sched, xg, weight, sg)


def kernel(inputs, weight, k, sorted_expert_idxs, sorted_scattered_idxs,
           expert_offsets, gates):
    del k, expert_offsets
    kk = gates.shape[1]
    ssi = sorted_scattered_idxs.astype(jnp.int32)
    if kk & (kk - 1) == 0:
        xg = _gather_rows_sc(inputs, ssi, kk)
    else:
        xg = _gather_rows_sc(inputs, ssi // kk, 1)
    return _grouped_matmul_combine(xg, weight, sorted_expert_idxs, gates)

# --- scband reference (transcript-rebuilt; emitter-appended) ---
"""Pipeline reference for scband-parallel-experts-69191923138886 (READ-ONLY COPY).

The authoritative reference and input builder live on the scoring server;
editing this copy changes nothing except your own understanding.
"""

import jax, jax.numpy as jnp
import numpy as np

T, D_IN, D_OUT, E, K = 2048, 768, 768, 64, 2
S = T * K

def setup_inputs(seed: int = 0) -> dict:
    key = jax.random.key(seed)
    k1, k2, k3, k4, k5, k6 = jax.random.split(key, 6)
    inputs = jax.random.normal(k1, (T, D_IN), dtype=jnp.float32)
    sorted_expert_idxs = jnp.sort(jax.random.randint(k2, (S,), 0, E, dtype=jnp.int32))
    sorted_scattered_idxs = jax.random.randint(k3, (S,), 0, S, dtype=jnp.int32)
    expert_offsets = jnp.sort(jax.random.randint(k4, (E,), 0, S, dtype=jnp.int32))
    gates = jax.random.uniform(k5, (T, K), dtype=jnp.float32)
    # learned parameter: packed expert weights [n_experts, out_dim, in_dim], std=0.02
    weight = jax.random.normal(k6, (E, D_OUT, D_IN), dtype=jnp.float32) * 0.02
    return {
        "inputs": inputs,
        "weight": weight,
        "k": K,
        "sorted_expert_idxs": sorted_expert_idxs,
        "sorted_scattered_idxs": sorted_scattered_idxs,
        "expert_offsets": expert_offsets,
        "gates": gates,
    }

def reference(inputs, weight, k, sorted_expert_idxs, sorted_scattered_idxs, expert_offsets, gates):
    # scatter2scatter: for each slot j, output[j] = weight[e_j] @ inputs[t_j]
    # (bias=False in this config). Implemented as a scan to avoid
    # materializing the [S, out, in] gathered weight tensor.
    token_idxs = sorted_scattered_idxs // k
    def body(carry, et):
        e, t = et
        y = weight[e] @ inputs[t]  # gather expert weight slice, matvec
        return carry, y
    _, out = jax.lax.scan(body, None, (sorted_expert_idxs, token_idxs))  # [S, D_OUT]
    # gate combine: [T,1,K] @ [T,K,O] -> [T,O]
    Tn, Kn = gates.shape
    out_expanded = out.reshape(Tn, Kn, -1)
    output = jnp.einsum("tk,tko->to", gates, out_expanded)
    return output

if __name__ == "__main__":
    import jax
    _d = setup_inputs()
    print(jax.jit(kernel)(*tuple(_d.values())))

</pallas_src>

<mosaic_0001>
#map = affine_map<(d0, d1) -> (0, 0)>
#map1 = affine_map<(d0, d1) -> (0)>
module attributes {stable_mosaic.version = 14 : i64} {
  func.func @gather_kernel(%arg0: i32, %arg1: i32, %arg2: memref<2048x768xf32, #tpu.memory_space<hbm>>, %arg3: memref<4096xi32, #tpu.memory_space<hbm>>, %arg4: memref<4096x768xf32, #tpu.memory_space<hbm>>, %arg5: memref<128xi32, #tpu.memory_space<vmem>>, %arg6: memref<128xi32, #tpu.memory_space<vmem>>, %arg7: memref<128x768xf32, #tpu.memory_space<vmem>>, %arg8: memref<!tpu.dma_semaphore, #tpu.memory_space<semaphore_mem>>) attributes {dimension_semantics = [#tpu.dimension_semantics<core_parallel>, #tpu.dimension_semantics<subcore_parallel>], iteration_bounds = array<i64: 2, 16>, scalar_prefetch = 0 : i64, scratch_operands = 4 : i64, tpu.core_type = #tpu.core_type<sc_vector_subcore>, window_params = [{transform_indices = #map}, {transform_indices = #map1}, {transform_indices = #map}]} {
    %mul3A = arith.constant 2 : i32
    %mul3A_0 = arith.muli %arg1, %mul3A : i32
    %add3A = arith.addi %mul3A_0, %arg0 : i32
    %mul3A_1 = arith.constant 128 : i32
    %mul3A_2 = arith.muli %add3A, %mul3A_1 : i32
    "tpu.region"() ({
      %run_scoped3A = tpu.sem_alloc : memref<!tpu.dma_semaphore, #tpu.memory_space<semaphore_mem>>
      %dma_start3A_84 = tpu.memref_slice %arg3[%mul3A_2] : memref<4096xi32, #tpu.memory_space<hbm>> -> memref<128xi32, #tpu.memory_space<hbm>>
      %dma_start3A_85 = tpu.memref_slice %arg3[%mul3A_2] : memref<4096xi32, #tpu.memory_space<hbm>> -> memref<128xi32, #tpu.memory_space<hbm>>
      tpu.enqueue_dma source(%dma_start3A_85 : memref<128xi32, #tpu.memory_space<hbm>>) target(%arg5 : memref<128xi32, #tpu.memory_space<vmem>>) target_semaphore(%run_scoped3A : memref<!tpu.dma_semaphore, #tpu.memory_space<semaphore_mem>>)
      %dma_wait3A_86 = tpu.memref_slice %arg3[%mul3A_2] : memref<4096xi32, #tpu.memory_space<hbm>> -> memref<128xi32, #tpu.memory_space<hbm>>
      %dma_wait3A_87 = tpu.memref_slice %arg3[%mul3A_2] : memref<4096xi32, #tpu.memory_space<hbm>> -> memref<128xi32, #tpu.memory_space<hbm>>
      tpu.wait_dma2 semaphore(%run_scoped3A : memref<!tpu.dma_semaphore, #tpu.memory_space<semaphore_mem>>) src(%dma_wait3A_87 : memref<128xi32, #tpu.memory_space<hbm>>) dst(%arg5 : memref<128xi32, #tpu.memory_space<vmem>>)
      tpu.yield
    }) : () -> ()
    %get3A = arith.constant 0 : index
    %get3A_3 = tpu.vector_load %arg5[%get3A] {strides = array<i32>} : memref<128xi32, #tpu.memory_space<vmem>>, vector<16xi32>,
    %get3A_4 = vector.shape_cast %get3A_3 : vector<16xi32> to vector<16xi32>
    %shift_right_logical3A = arith.constant 1 : i32
    %shift_right_logical3A_5 = vector.broadcast %shift_right_logical3A : i32 to vector<16xi32>
    %shift_right_logical3A_6 = arith.shrui %get3A_4, %shift_right_logical3A_5 : vector<16xi32>
    %swap3A = arith.constant 0 : index
    %swap3A_7 = tpu.vector_load %arg6[%swap3A] {strides = array<i32>} : memref<128xi32, #tpu.memory_space<vmem>>, vector<16xi32>,
    %swap3A_8 = vector.shape_cast %swap3A_7 : vector<16xi32> to vector<16xi32>
    %swap3A_9 = vector.shape_cast %shift_right_logical3A_6 : vector<16xi32> to vector<16xi32>
    tpu.vector_store %arg6[%swap3A], %swap3A_9 {strides = array<i32>} : memref<128xi32, #tpu.memory_space<vmem>>, vector<16xi32>,
    %get3A_10 = arith.constant 16 : index
    %get3A_11 = tpu.vector_load %arg5[%get3A_10] {strides = array<i32>} : memref<128xi32, #tpu.memory_space<vmem>>, vector<16xi32>,
    %get3A_12 = vector.shape_cast %get3A_11 : vector<16xi32> to vector<16xi32>
    %shift_right_logical3A_13 = arith.constant 1 : i32
    %shift_right_logical3A_14 = vector.broadcast %shift_right_logical3A_13 : i32 to vector<16xi32>
    %shift_right_logical3A_15 = arith.shrui %get3A_12, %shift_right_logical3A_14 : vector<16xi32>
    %swap3A_16 = arith.constant 16 : index
    %swap3A_17 = tpu.vector_load %arg6[%swap3A_16] {strides = array<i32>} : memref<128xi32, #tpu.memory_space<vmem>>, vector<16xi32>,
    %swap3A_18 = vector.shape_cast %swap3A_17 : vector<16xi32> to vector<16xi32>
    %swap3A_19 = vector.shape_cast %shift_right_logical3A_15 : vector<16xi32> to vector<16xi32>
    tpu.vector_store %arg6[%swap3A_16], %swap3A_19 {strides = array<i32>} : memref<128xi32, #tpu.memory_space<vmem>>, vector<16xi32>,
    %get3A_20 = arith.constant 32 : index
    %get3A_21 = tpu.vector_load %arg5[%get3A_20] {strides = array<i32>} : memref<128xi32, #tpu.memory_space<vmem>>, vector<16xi32>,
    %get3A_22 = vector.shape_cast %get3A_21 : vector<16xi32> to vector<16xi32>
    %shift_right_logical3A_23 = arith.constant 1 : i32
    %shift_right_logical3A_24 = vector.broadcast %shift_right_logical3A_23 : i32 to vector<16xi32>
    %shift_right_logical3A_25 = arith.shrui %get3A_22, %shift_right_logical3A_24 : vector<16xi32>
    %swap3A_26 = arith.constant 32 : index
    %swap3A_27 = tpu.vector_load %arg6[%swap3A_26] {strides = array<i32>} : memref<128xi32, #tpu.memory_space<vmem>>, vector<16xi32>,
    %swap3A_28 = vector.shape_cast %swap3A_27 : vector<16xi32> to vector<16xi32>
    %swap3A_29 = vector.shape_cast %shift_right_logical3A_25 : vector<16xi32> to vector<16xi32>
    tpu.vector_store %arg6[%swap3A_26], %swap3A_29 {strides = array<i32>} : memref<128xi32, #tpu.memory_space<vmem>>, vector<16xi32>,
    %get3A_30 = arith.constant 48 : index
    %get3A_31 = tpu.vector_load %arg5[%get3A_30] {strides = array<i32>} : memref<128xi32, #tpu.memory_space<vmem>>, vector<16xi32>,
    %get3A_32 = vector.shape_cast %get3A_31 : vector<16xi32> to vector<16xi32>
    %shift_right_logical3A_33 = arith.constant 1 : i32
    %shift_right_logical3A_34 = vector.broadcast %shift_right_logical3A_33 : i32 to vector<16xi32>
    %shift_right_logical3A_35 = arith.shrui %get3A_32, %shift_right_logical3A_34 : vector<16xi32>
    %swap3A_36 = arith.constant 48 : index
    %swap3A_37 = tpu.vector_load %arg6[%swap3A_36] {strides = array<i32>} : memref<128xi32, #tpu.memory_space<vmem>>, vector<16xi32>,
    %swap3A_38 = vector.shape_cast %swap3A_37 : vector<16xi32> to vector<16xi32>
    %swap3A_39 = vector.shape_cast %shift_right_logical3A_35 : vector<16xi32> to vector<16xi32>
    tpu.vector_store %arg6[%swap3A_36], %swap3A_39 {strides = array<i32>} : memref<128xi32, #tpu.memory_space<vmem>>, vector<16xi32>,
    %get3A_40 = arith.constant 64 : index
    %get3A_41 = tpu.vector_load %arg5[%get3A_40] {strides = array<i32>} : memref<128xi32, #tpu.memory_space<vmem>>, vector<16xi32>,
    %get3A_42 = vector.shape_cast %get3A_41 : vector<16xi32> to vector<16xi32>
    %shift_right_logical3A_43 = arith.constant 1 : i32
    %shift_right_logical3A_44 = vector.broadcast %shift_right_logical3A_43 : i32 to vector<16xi32>
    %shift_right_logical3A_45 = arith.shrui %get3A_42, %shift_right_logical3A_44 : vector<16xi32>
    %swap3A_46 = arith.constant 64 : index
    %swap3A_47 = tpu.vector_load %arg6[%swap3A_46] {strides = array<i32>} : memref<128xi32, #tpu.memory_space<vmem>>, vector<16xi32>,
    %swap3A_48 = vector.shape_cast %swap3A_47 : vector<16xi32> to vector<16xi32>
    %swap3A_49 = vector.shape_cast %shift_right_logical3A_45 : vector<16xi32> to vector<16xi32>
    tpu.vector_store %arg6[%swap3A_46], %swap3A_49 {strides = array<i32>} : memref<128xi32, #tpu.memory_space<vmem>>, vector<16xi32>,
    %get3A_50 = arith.constant 80 : index
    %get3A_51 = tpu.vector_load %arg5[%get3A_50] {strides = array<i32>} : memref<128xi32, #tpu.memory_space<vmem>>, vector<16xi32>,
    %get3A_52 = vector.shape_cast %get3A_51 : vector<16xi32> to vector<16xi32>
    %shift_right_logical3A_53 = arith.constant 1 : i32
    %shift_right_logical3A_54 = vector.broadcast %shift_right_logical3A_53 : i32 to vector<16xi32>
    %shift_right_logical3A_55 = arith.shrui %get3A_52, %shift_right_logical3A_54 : vector<16xi32>
    %swap3A_56 = arith.constant 80 : index
    %swap3A_57 = tpu.vector_load %arg6[%swap3A_56] {strides = array<i32>} : memref<128xi32, #tpu.memory_space<vmem>>, vector<16xi32>,
    %swap3A_58 = vector.shape_cast %swap3A_57 : vector<16xi32> to vector<16xi32>
    %swap3A_59 = vector.shape_cast %shift_right_logical3A_55 : vector<16xi32> to vector<16xi32>
    tpu.vector_store %arg6[%swap3A_56], %swap3A_59 {strides = array<i32>} : memref<128xi32, #tpu.memory_space<vmem>>, vector<16xi32>,
    %get3A_60 = arith.constant 96 : index
    %get3A_61 = tpu.vector_load %arg5[%get3A_60] {strides = array<i32>} : memref<128xi32, #tpu.memory_space<vmem>>, vector<16xi32>,
    %get3A_62 = vector.shape_cast %get3A_61 : vector<16xi32> to vector<16xi32>
    %shift_right_logical3A_63 = arith.constant 1 : i32
    %shift_right_logical3A_64 = vector.broadcast %shift_right_logical3A_63 : i32 to vector<16xi32>
    %shift_right_logical3A_65 = arith.shrui %get3A_62, %shift_right_logical3A_64 : vector<16xi32>
    %swap3A_66 = arith.constant 96 : index
    %swap3A_67 = tpu.vector_load %arg6[%swap3A_66] {strides = array<i32>} : memref<128xi32, #tpu.memory_space<vmem>>, vector<16xi32>,
    %swap3A_68 = vector.shape_cast %swap3A_67 : vector<16xi32> to vector<16xi32>
    %swap3A_69 = vector.shape_cast %shift_right_logical3A_65 : vector<16xi32> to vector<16xi32>
    tpu.vector_store %arg6[%swap3A_66], %swap3A_69 {strides = array<i32>} : memref<128xi32, #tpu.memory_space<vmem>>, vector<16xi32>,
    %get3A_70 = arith.constant 112 : index
    %get3A_71 = tpu.vector_load %arg5[%get3A_70] {strides = array<i32>} : memref<128xi32, #tpu.memory_space<vmem>>, vector<16xi32>,
    %get3A_72 = vector.shape_cast %get3A_71 : vector<16xi32> to vector<16xi32>
    %shift_right_logical3A_73 = arith.constant 1 : i32
    %shift_right_logical3A_74 = vector.broadcast %shift_right_logical3A_73 : i32 to vector<16xi32>
    %shift_right_logical3A_75 = arith.shrui %get3A_72, %shift_right_logical3A_74 : vector<16xi32>
    %swap3A_76 = arith.constant 112 : index
    %swap3A_77 = tpu.vector_load %arg6[%swap3A_76] {strides = array<i32>} : memref<128xi32, #tpu.memory_space<vmem>>, vector<16xi32>,
    %swap3A_78 = vector.shape_cast %swap3A_77 : vector<16xi32> to vector<16xi32>
    %swap3A_79 = vector.shape_cast %shift_right_logical3A_75 : vector<16xi32> to vector<16xi32>
    tpu.vector_store %arg6[%swap3A_76], %swap3A_79 {strides = array<i32>} : memref<128xi32, #tpu.memory_space<vmem>>, vector<16xi32>,
    %dma_start3A = arith.constant 0 : i32
    %dma_start3A_80 = arith.constant 0 : i32
    %dma_start3A_81 = tpu.memref_slice %arg2[%dma_start3A, %dma_start3A_80] : memref<2048x768xf32, #tpu.memory_space<hbm>> -> memref<2048x768xf32, #tpu.memory_space<hbm>>
    tpu.enqueue_indirect_dma source(%dma_start3A_81 : memref<2048x768xf32, #tpu.memory_space<hbm>>) target(%arg7 : memref<128x768xf32, #tpu.memory_space<vmem>>) offsets(%arg6 : memref<128xi32, #tpu.memory_space<vmem>>) semaphore(%arg8 : memref<!tpu.dma_semaphore, #tpu.memory_space<semaphore_mem>>)
    %dma_wait3A = arith.constant 0 : i32
    %dma_wait3A_82 = arith.constant 0 : i32
    %dma_wait3A_83 = tpu.memref_slice %arg2[%dma_wait3A, %dma_wait3A_82] : memref<2048x768xf32, #tpu.memory_space<hbm>> -> memref<2048x768xf32, #tpu.memory_space<hbm>>
    tpu.wait_indirect_dma semaphore(%arg8 : memref<!tpu.dma_semaphore, #tpu.memory_space<semaphore_mem>>) src(%dma_wait3A_83 : memref<2048x768xf32, #tpu.memory_space<hbm>>) dst(%arg7 : memref<128x768xf32, #tpu.memory_space<vmem>>)
    "tpu.region"() ({
      %run_scoped3A = tpu.sem_alloc : memref<!tpu.dma_semaphore, #tpu.memory_space<semaphore_mem>>
      %dma_start3A_84 = arith.constant 0 : i32
      %dma_start3A_85 = tpu.memref_slice %arg4[%mul3A_2, %dma_start3A_84] : memref<4096x768xf32, #tpu.memory_space<hbm>> -> memref<128x768xf32, #tpu.memory_space<hbm>>
      %dma_start3A_86 = arith.constant 0 : i32
      %dma_start3A_87 = tpu.memref_slice %arg4[%mul3A_2, %dma_start3A_86] : memref<4096x768xf32, #tpu.memory_space<hbm>> -> memref<128x768xf32, #tpu.memory_space<hbm>>
      tpu.enqueue_dma source(%arg7 : memref<128x768xf32, #tpu.memory_space<vmem>>) target(%dma_start3A_87 : memref<128x768xf32, #tpu.memory_space<hbm>>) target_semaphore(%run_scoped3A : memref<!tpu.dma_semaphore, #tpu.memory_space<semaphore_mem>>)
      %dma_wait3A_88 = arith.constant 0 : i32
      %dma_wait3A_89 = tpu.memref_slice %arg4[%mul3A_2, %dma_wait3A_88] : memref<4096x768xf32, #tpu.memory_space<hbm>> -> memref<128x768xf32, #tpu.memory_space<hbm>>
      %dma_wait3A_90 = arith.constant 0 : i32
      %dma_wait3A_91 = tpu.memref_slice %arg4[%mul3A_2, %dma_wait3A_90] : memref<4096x768xf32, #tpu.memory_space<hbm>> -> memref<128x768xf32, #tpu.memory_space<hbm>>
      tpu.wait_dma2 semaphore(%run_scoped3A : memref<!tpu.dma_semaphore, #tpu.memory_space<semaphore_mem>>) src(%arg7 : memref<128x768xf32, #tpu.memory_space<vmem>>) dst(%dma_wait3A_91 : memref<128x768xf32, #tpu.memory_space<hbm>>)
      tpu.yield
    }) : () -> ()
    return
  }
}

module attributes {stable_mosaic.version = 14 : i64} {
  func.func @body(%arg0: i32, %arg1: memref<79xi32, #tpu.memory_space<smem>>, %arg2: memref<79xi32, #tpu.memory_space<smem>>, %arg3: memref<79xi32, #tpu.memory_space<smem>>, %arg4: memref<79xi32, #tpu.memory_space<smem>>, %arg5: memref<79xi32, #tpu.memory_space<smem>>, %arg6: memref<79xi32, #tpu.memory_space<smem>>, %arg7: memref<79xi32, #tpu.memory_space<smem>>, %arg8: memref<79xi32, #tpu.memory_space<smem>>, %arg9: memref<79xi32, #tpu.memory_space<smem>>, %arg10: memref<79xi32, #tpu.memory_space<smem>>, %arg11: memref<79xi32, #tpu.memory_space<smem>>, %arg12: memref<1xi32, #tpu.memory_space<smem>>, %arg13: memref<256x768xf32, #tpu.memory_space<vmem>>, %arg14: memref<64x768x768xf32, #tpu.memory_space<any>>, %arg15: memref<256x2xf32, #tpu.memory_space<vmem>>, %arg16: memref<128x768xf32, #tpu.memory_space<vmem>>, %arg17: memref<256x768xf32, #tpu.memory_space<vmem>>, %arg18: memref<4x768x768xf32, #tpu.memory_space<vmem>>, %arg19: memref<4x!tpu.dma_semaphore, #tpu.memory_space<semaphore_mem>>) attributes {dimension_semantics = [#tpu.dimension_semantics<arbitrary>], iteration_bounds = array<i64: 79>, scalar_prefetch = 12 : i64, scratch_operands = 3 : i64, tpu.core_type = #tpu.core_type<tc>, window_params = [{transform_indices = @transform_0, window_bounds = array<i64: 256, 768>}, {}, {transform_indices = @transform_2, window_bounds = array<i64: 256, 2>}, {transform_indices = @transform_3, window_bounds = array<i64: 128, 768>}]} {
    %eq3A = arith.constant 0 : i32
    %eq3A_0 = arith.cmpi eq, %arg0, %eq3A : i32
    %convert_element_type3A = arith.extui %eq3A_0 : i1 to i32
    %cond3A = arith.constant 0 : i32
    %cond3A_1 = arith.cmpi ne, %convert_element_type3A, %cond3A : i32
    scf.if %cond3A_1 {
      %get3A_26 = arith.constant 0 : index
      %get3A_27 = memref.load %arg12[%get3A_26] : memref<1xi32, #tpu.memory_space<smem>>
      %gt3A = arith.constant 0 : i32
      %gt3A_28 = arith.cmpi sgt, %get3A_27, %gt3A : i32
      %convert_element_type3A_29 = arith.extui %gt3A_28 : i1 to i32
      %cond3A_30 = arith.constant 0 : i32
      %cond3A_31 = arith.cmpi ne, %convert_element_type3A_29, %cond3A_30 : i32
      scf.if %cond3A_31 {
        %get3A_46 = arith.constant 0 : index
        %get3A_47 = memref.load %arg11[%get3A_46] : memref<79xi32, #tpu.memory_space<smem>>
        %dma_start3A = arith.constant 0 : i32
        %dma_start3A_48 = arith.constant 0 : i32
        %dma_start3A_49 = tpu.memref_slice %arg19[%dma_start3A_48] : memref<4x!tpu.dma_semaphore, #tpu.memory_space<semaphore_mem>> -> memref<1x!tpu.dma_semaphore, #tpu.memory_space<semaphore_mem>>
        %dma_start3A_50 = tpu.memref_squeeze %dma_start3A_49 : memref<1x!tpu.dma_semaphore, #tpu.memory_space<semaphore_mem>> -> memref<!tpu.dma_semaphore, #tpu.memory_space<semaphore_mem>>
        %dma_start3A_51 = arith.constant 0 : i32
        %dma_start3A_52 = arith.constant 0 : i32
        %dma_start3A_53 = tpu.memref_slice %arg18[%dma_start3A, %dma_start3A_51, %dma_start3A_52] : memref<4x768x768xf32, #tpu.memory_space<vmem>> -> memref<1x768x768xf32, #tpu.memory_space<vmem>>
        %dma_start3A_54 = tpu.memref_squeeze %dma_start3A_53 : memref<1x768x768xf32, #tpu.memory_space<vmem>> -> memref<768x768xf32, #tpu.memory_space<vmem>>
        %dma_start3A_55 = arith.constant 0 : i32
        %dma_start3A_56 = arith.constant 0 : i32
        %dma_start3A_57 = tpu.memref_slice %arg14[%get3A_47, %dma_start3A_55, %dma_start3A_56] : memref<64x768x768xf32, #tpu.memory_space<any>> -> memref<1x768x768xf32, #tpu.memory_space<any>>
        %dma_start3A_58 = tpu.memref_squeeze %dma_start3A_57 : memref<1x768x768xf32, #tpu.memory_space<any>> -> memref<768x768xf32, #tpu.memory_space<any>>
        tpu.enqueue_dma source(%dma_start3A_58 : memref<768x768xf32, #tpu.memory_space<any>>) target(%dma_start3A_54 : memref<768x768xf32, #tpu.memory_space<vmem>>) target_semaphore(%dma_start3A_50 : memref<!tpu.dma_semaphore, #tpu.memory_space<semaphore_mem>>)
      } else {
      }
      %get3A_32 = arith.constant 0 : index
      %get3A_33 = memref.load %arg12[%get3A_32] : memref<1xi32, #tpu.memory_space<smem>>
      %gt3A_34 = arith.constant 1 : i32
      %gt3A_35 = arith.cmpi sgt, %get3A_33, %gt3A_34 : i32
      %convert_element_type3A_36 = arith.extui %gt3A_35 : i1 to i32
      %cond3A_37 = arith.constant 0 : i32
      %cond3A_38 = arith.cmpi ne, %convert_element_type3A_36, %cond3A_37 : i32
      scf.if %cond3A_38 {
        %get3A_46 = arith.constant 1 : index
        %get3A_47 = memref.load %arg11[%get3A_46] : memref<79xi32, #tpu.memory_space<smem>>
        %dma_start3A = arith.constant 1 : i32
        %dma_start3A_48 = arith.constant 1 : i32
        %dma_start3A_49 = tpu.memref_slice %arg19[%dma_start3A_48] : memref<4x!tpu.dma_semaphore, #tpu.memory_space<semaphore_mem>> -> memref<1x!tpu.dma_semaphore, #tpu.memory_space<semaphore_mem>>
        %dma_start3A_50 = tpu.memref_squeeze %dma_start3A_49 : memref<1x!tpu.dma_semaphore, #tpu.memory_space<semaphore_mem>> -> memref<!tpu.dma_semaphore, #tpu.memory_space<semaphore_mem>>
        %dma_start3A_51 = arith.constant 0 : i32
        %dma_start3A_52 = arith.constant 0 : i32
        %dma_start3A_53 = tpu.memref_slice %arg18[%dma_start3A, %dma_start3A_51, %dma_start3A_52] : memref<4x768x768xf32, #tpu.memory_space<vmem>> -> memref<1x768x768xf32, #tpu.memory_space<vmem>>
        %dma_start3A_54 = tpu.memref_squeeze %dma_start3A_53 : memref<1x768x768xf32, #tpu.memory_space<vmem>> -> memref<768x768xf32, #tpu.memory_space<vmem>>
        %dma_start3A_55 = arith.constant 0 : i32
        %dma_start3A_56 = arith.constant 0 : i32
        %dma_start3A_57 = tpu.memref_slice %arg14[%get3A_47, %dma_start3A_55, %dma_start3A_56] : memref<64x768x768xf32, #tpu.memory_space<any>> -> memref<1x768x768xf32, #tpu.memory_space<any>>
        %dma_start3A_58 = tpu.memref_squeeze %dma_start3A_57 : memref<1x768x768xf32, #tpu.memory_space<any>> -> memref<768x768xf32, #tpu.memory_space<any>>
        tpu.enqueue_dma source(%dma_start3A_58 : memref<768x768xf32, #tpu.memory_space<any>>) target(%dma_start3A_54 : memref<768x768xf32, #tpu.memory_space<vmem>>) target_semaphore(%dma_start3A_50 : memref<!tpu.dma_semaphore, #tpu.memory_space<semaphore_mem>>)
      } else {
      }
      %get3A_39 = arith.constant 0 : index
      %get3A_40 = memref.load %arg12[%get3A_39] : memref<1xi32, #tpu.memory_space<smem>>
      %gt3A_41 = arith.constant 2 : i32
      %gt3A_42 = arith.cmpi sgt, %get3A_40, %gt3A_41 : i32
      %convert_element_type3A_43 = arith.extui %gt3A_42 : i1 to i32
      %cond3A_44 = arith.constant 0 : i32
      %cond3A_45 = arith.cmpi ne, %convert_element_type3A_43, %cond3A_44 : i32
      scf.if %cond3A_45 {
        %get3A_46 = arith.constant 2 : index
        %get3A_47 = memref.load %arg11[%get3A_46] : memref<79xi32, #tpu.memory_space<smem>>
        %dma_start3A = arith.constant 2 : i32
        %dma_start3A_48 = arith.constant 2 : i32
        %dma_start3A_49 = tpu.memref_slice %arg19[%dma_start3A_48] : memref<4x!tpu.dma_semaphore, #tpu.memory_space<semaphore_mem>> -> memref<1x!tpu.dma_semaphore, #tpu.memory_space<semaphore_mem>>
        %dma_start3A_50 = tpu.memref_squeeze %dma_start3A_49 : memref<1x!tpu.dma_semaphore, #tpu.memory_space<semaphore_mem>> -> memref<!tpu.dma_semaphore, #tpu.memory_space<semaphore_mem>>
        %dma_start3A_51 = arith.constant 0 : i32
        %dma_start3A_52 = arith.constant 0 : i32
        %dma_start3A_53 = tpu.memref_slice %arg18[%dma_start3A, %dma_start3A_51, %dma_start3A_52] : memref<4x768x768xf32, #tpu.memory_space<vmem>> -> memref<1x768x768xf32, #tpu.memory_space<vmem>>
        %dma_start3A_54 = tpu.memref_squeeze %dma_start3A_53 : memref<1x768x768xf32, #tpu.memory_space<vmem>> -> memref<768x768xf32, #tpu.memory_space<vmem>>
        %dma_start3A_55 = arith.constant 0 : i32
        %dma_start3A_56 = arith.constant 0 : i32
        %dma_start3A_57 = tpu.memref_slice %arg14[%get3A_47, %dma_start3A_55, %dma_start3A_56] : memref<64x768x768xf32, #tpu.memory_space<any>> -> memref<1x768x768xf32, #tpu.memory_space<any>>
        %dma_start3A_58 = tpu.memref_squeeze %dma_start3A_57 : memref<1x768x768xf32, #tpu.memory_space<any>> -> memref<768x768xf32, #tpu.memory_space<any>>
        tpu.enqueue_dma source(%dma_start3A_58 : memref<768x768xf32, #tpu.memory_space<any>>) target(%dma_start3A_54 : memref<768x768xf32, #tpu.memory_space<vmem>>) target_semaphore(%dma_start3A_50 : memref<!tpu.dma_semaphore, #tpu.memory_space<semaphore_mem>>)
      } else {
      }
    } else {
    }
    %get3A = arith.index_cast %arg0 : i32 to index
    %get3A_2 = memref.load %arg8[%get3A] : memref<79xi32, #tpu.memory_space<smem>>
    %eq3A_3 = arith.constant 1 : i32
    %eq3A_4 = arith.cmpi eq, %get3A_2, %eq3A_3 : i32
    %convert_element_type3A_5 = arith.extui %eq3A_4 : i1 to i32
    %cond3A_6 = arith.constant 0 : i32
    %cond3A_7 = arith.cmpi ne, %convert_element_type3A_5, %cond3A_6 : i32
    scf.if %cond3A_7 {
      %get3A_26 = arith.index_cast %arg0 : i32 to index
      %get3A_27 = memref.load %arg9[%get3A_26] : memref<79xi32, #tpu.memory_space<smem>>
      %get3A_28 = arith.index_cast %arg0 : i32 to index
      %get3A_29 = memref.load %arg10[%get3A_28] : memref<79xi32, #tpu.memory_space<smem>>
      %get3A_30 = arith.index_cast %arg0 : i32 to index
      %get3A_31 = memref.load %arg10[%get3A_30] : memref<79xi32, #tpu.memory_space<smem>>
      %dma_start3A = tpu.memref_slice %arg19[%get3A_31] : memref<4x!tpu.dma_semaphore, #tpu.memory_space<semaphore_mem>> -> memref<1x!tpu.dma_semaphore, #tpu.memory_space<semaphore_mem>>
      %dma_start3A_32 = tpu.memref_squeeze %dma_start3A : memref<1x!tpu.dma_semaphore, #tpu.memory_space<semaphore_mem>> -> memref<!tpu.dma_semaphore, #tpu.memory_space<semaphore_mem>>
      %dma_start3A_33 = arith.constant 0 : i32
      %dma_start3A_34 = arith.constant 0 : i32
      %dma_start3A_35 = tpu.memref_slice %arg18[%get3A_29, %dma_start3A_33, %dma_start3A_34] : memref<4x768x768xf32, #tpu.memory_space<vmem>> -> memref<1x768x768xf32, #tpu.memory_space<vmem>>
      %dma_start3A_36 = tpu.memref_squeeze %dma_start3A_35 : memref<1x768x768xf32, #tpu.memory_space<vmem>> -> memref<768x768xf32, #tpu.memory_space<vmem>>
      %dma_start3A_37 = arith.constant 0 : i32
      %dma_start3A_38 = arith.constant 0 : i32
      %dma_start3A_39 = tpu.memref_slice %arg14[%get3A_27, %dma_start3A_37, %dma_start3A_38] : memref<64x768x768xf32, #tpu.memory_space<any>> -> memref<1x768x768xf32, #tpu.memory_space<any>>
      %dma_start3A_40 = tpu.memref_squeeze %dma_start3A_39 : memref<1x768x768xf32, #tpu.memory_space<any>> -> memref<768x768xf32, #tpu.memory_space<any>>
      tpu.enqueue_dma source(%dma_start3A_40 : memref<768x768xf32, #tpu.memory_space<any>>) target(%dma_start3A_36 : memref<768x768xf32, #tpu.memory_space<vmem>>) target_semaphore(%dma_start3A_32 : memref<!tpu.dma_semaphore, #tpu.memory_space<semaphore_mem>>)
    } else {
    }
    %get3A_8 = arith.index_cast %arg0 : i32 to index
    %get3A_9 = memref.load %arg7[%get3A_8] : memref<79xi32, #tpu.memory_space<smem>>
    %get3A_10 = arith.index_cast %arg0 : i32 to index
    %get3A_11 = memref.load %arg2[%get3A_10] : memref<79xi32, #tpu.memory_space<smem>>
    %get3A_12 = arith.index_cast %arg0 : i32 to index
    %get3A_13 = memref.load %arg6[%get3A_12] : memref<79xi32, #tpu.memory_space<smem>>
    %eq3A_14 = arith.constant 1 : i32
    %eq3A_15 = arith.cmpi eq, %get3A_13, %eq3A_14 : i32
    %convert_element_type3A_16 = arith.extui %eq3A_15 : i1 to i32
    %cond3A_17 = arith.constant 0 : i32
    %cond3A_18 = arith.cmpi ne, %convert_element_type3A_16, %cond3A_17 : i32
    scf.if %cond3A_18 {
      %dma_wait3A = tpu.memref_slice %arg19[%get3A_9] : memref<4x!tpu.dma_semaphore, #tpu.memory_space<semaphore_mem>> -> memref<1x!tpu.dma_semaphore, #tpu.memory_space<semaphore_mem>>
      %dma_wait3A_26 = tpu.memref_squeeze %dma_wait3A : memref<1x!tpu.dma_semaphore, #tpu.memory_space<semaphore_mem>> -> memref<!tpu.dma_semaphore, #tpu.memory_space<semaphore_mem>>
      %dma_wait3A_27 = arith.constant 0 : i32
      %dma_wait3A_28 = arith.constant 0 : i32
      %dma_wait3A_29 = tpu.memref_slice %arg18[%get3A_9, %dma_wait3A_27, %dma_wait3A_28] : memref<4x768x768xf32, #tpu.memory_space<vmem>> -> memref<1x768x768xf32, #tpu.memory_space<vmem>>
      %dma_wait3A_30 = tpu.memref_squeeze %dma_wait3A_29 : memref<1x768x768xf32, #tpu.memory_space<vmem>> -> memref<768x768xf32, #tpu.memory_space<vmem>>
      %dma_wait3A_31 = arith.constant 0 : i32
      %dma_wait3A_32 = arith.constant 0 : i32
      %dma_wait3A_33 = tpu.memref_slice %arg14[%get3A_11, %dma_wait3A_31, %dma_wait3A_32] : memref<64x768x768xf32, #tpu.memory_space<any>> -> memref<1x768x768xf32, #tpu.memory_space<any>>
      %dma_wait3A_34 = tpu.memref_squeeze %dma_wait3A_33 : memref<1x768x768xf32, #tpu.memory_space<any>> -> memref<768x768xf32, #tpu.memory_space<any>>
      tpu.wait_dma2 semaphore(%dma_wait3A_26 : memref<!tpu.dma_semaphore, #tpu.memory_space<semaphore_mem>>) src(%dma_wait3A_34 : memref<768x768xf32, #tpu.memory_space<any>>) dst(%dma_wait3A_30 : memref<768x768xf32, #tpu.memory_space<vmem>>)
    } else {
    }
    %get3A_19 = arith.index_cast %arg0 : i32 to index
    %get3A_20 = memref.load %arg5[%get3A_19] : memref<79xi32, #tpu.memory_space<smem>>
    %eq3A_21 = arith.constant 1 : i32
    %eq3A_22 = arith.cmpi eq, %get3A_20, %eq3A_21 : i32
    %convert_element_type3A_23 = arith.extui %eq3A_22 : i1 to i32
    %cond3A_24 = arith.constant 0 : i32
    %cond3A_25 = arith.cmpi ne, %convert_element_type3A_23, %cond3A_24 : i32
    scf.if %cond3A_25 {
      %get3A_26 = arith.constant 0 : index
      %get3A_27 = arith.constant 0 : index
      %get3A_28 = vector.load %arg15[%get3A_26, %get3A_27] : memref<256x2xf32, #tpu.memory_space<vmem>>, vector<256x2xf32>
      %slice3A = vector.extract_strided_slice %get3A_28 {offsets = [0, 0], sizes = [256, 1], strides = [1, 1]} : vector<256x2xf32> to vector<256x1xf32>
      %convert_element_type3A_29 = arith.sitofp %get3A_11 : i32 to f32
      %eq3A_30 = vector.broadcast %convert_element_type3A_29 : f32 to vector<256x1xf32>
      %eq3A_31 = arith.cmpf oeq, %slice3A, %eq3A_30 : vector<256x1xf32>
      %convert_element_type3A_32 = arith.extui %eq3A_31 : vector<256x1xi1> to vector<256x1xi32>
      %convert_element_type3A_33 = arith.sitofp %convert_element_type3A_32 : vector<256x1xi32> to vector<256x1xf32>
      %get3A_34 = arith.constant 0 : index
      %get3A_35 = arith.constant 0 : index
      %get3A_36 = vector.load %arg13[%get3A_34, %get3A_35] : memref<256x768xf32, #tpu.memory_space<vmem>>, vector<256x768xf32>
      %slice3A_37 = vector.extract_strided_slice %get3A_28 {offsets = [0, 1], sizes = [256, 1], strides = [1, 1]} : vector<256x2xf32> to vector<256x1xf32>
      %mul3A = arith.mulf %convert_element_type3A_33, %slice3A_37 : vector<256x1xf32>
      %mul3A_38 = vector.broadcast %mul3A : vector<256x1xf32> to vector<256x768xf32>
      %mul3A_39 = arith.mulf %get3A_36, %mul3A_38 : vector<256x768xf32>
      %get3A_40 = arith.index_cast %get3A_9 : i32 to index
      %get3A_41 = arith.constant 0 : index
      %get3A_42 = arith.constant 0 : index
      %get3A_43 = vector.load %arg18[%get3A_40, %get3A_41, %get3A_42] : memref<4x768x768xf32, #tpu.memory_space<vmem>>, vector<1x768x768xf32>
      %get3A_44 = vector.shape_cast %get3A_43 : vector<1x768x768xf32> to vector<768x768xf32>
      %dot_general3A = arith.constant dense<0.000000e+00> : vector<256x768xf32>
      %dot_general3A_45 = tpu.matmul %mul3A_39, %get3A_44, %dot_general3A {dimension_numbers = #tpu.dot_dimension_numbers<[1], [1], [0], [0], [0, 0, 1, 0], [], []>, transpose_lhs_hint = false} : vector<256x768xf32>, vector<768x768xf32>, vector<256x768xf32> -> vector<256x768xf32>
      %get3A_46 = arith.index_cast %arg0 : i32 to index
      %get3A_47 = memref.load %arg3[%get3A_46] : memref<79xi32, #tpu.memory_space<smem>>
      %eq3A_48 = arith.constant 1 : i32
      %eq3A_49 = arith.cmpi eq, %get3A_47, %eq3A_48 : i32
      %convert_element_type3A_50 = arith.extui %eq3A_49 : i1 to i32
      %cond3A_51 = arith.constant 0 : i32
      %cond3A_52 = arith.cmpi ne, %convert_element_type3A_50, %cond3A_51 : i32
      scf.if %cond3A_52 {
        %swap3A = arith.constant 0 : index
        %swap3A_67 = arith.constant 0 : index
        %swap3A_68 = vector.load %arg17[%swap3A, %swap3A_67] : memref<256x768xf32, #tpu.memory_space<vmem>>, vector<256x768xf32>
        tpu.vector_store %arg17[%swap3A, %swap3A_67], %dot_general3A_45 {strides = array<i32>} : memref<256x768xf32, #tpu.memory_space<vmem>>, vector<256x768xf32>,
      } else {
      }
      %get3A_53 = arith.index_cast %arg0 : i32 to index
      %get3A_54 = memref.load %arg3[%get3A_53] : memref<79xi32, #tpu.memory_space<smem>>
      %eq3A_55 = arith.constant 0 : i32
      %eq3A_56 = arith.cmpi eq, %get3A_54, %eq3A_55 : i32
      %convert_element_type3A_57 = arith.extui %eq3A_56 : i1 to i32
      %cond3A_58 = arith.constant 0 : i32
      %cond3A_59 = arith.cmpi ne, %convert_element_type3A_57, %cond3A_58 : i32
      scf.if %cond3A_59 {
        %get3A_67 = arith.constant 0 : index
        %get3A_68 = arith.constant 0 : index
        %get3A_69 = vector.load %arg17[%get3A_67, %get3A_68] : memref<256x768xf32, #tpu.memory_space<vmem>>, vector<256x768xf32>
        %add3A = arith.addf %get3A_69, %dot_general3A_45 : vector<256x768xf32>
        %swap3A = arith.constant 0 : index
        %swap3A_70 = arith.constant 0 : index
        %swap3A_71 = vector.load %arg17[%swap3A, %swap3A_70] : memref<256x768xf32, #tpu.memory_space<vmem>>, vector<256x768xf32>
        tpu.vector_store %arg17[%swap3A, %swap3A_70], %add3A {strides = array<i32>} : memref<256x768xf32, #tpu.memory_space<vmem>>, vector<256x768xf32>,
      } else {
      }
      %get3A_60 = arith.index_cast %arg0 : i32 to index
      %get3A_61 = memref.load %arg4[%get3A_60] : memref<79xi32, #tpu.memory_space<smem>>
      %eq3A_62 = arith.constant 1 : i32
      %eq3A_63 = arith.cmpi eq, %get3A_61, %eq3A_62 : i32
      %convert_element_type3A_64 = arith.extui %eq3A_63 : i1 to i32
      %cond3A_65 = arith.constant 0 : i32
      %cond3A_66 = arith.cmpi ne, %convert_element_type3A_64, %cond3A_65 : i32
      scf.if %cond3A_66 {
        %iota3A = tpu.iota {dimensions = array<i32: 0>} : vector<128x256xi32>
        %iota3A_67 = tpu.iota {dimensions = array<i32: 1>} : vector<128x256xi32>
        %jit3A = arith.constant 2 : i32
        %div3A = vector.broadcast %jit3A : i32 to vector<128x256xi32>
        %div3A_68 = arith.divsi %iota3A_67, %div3A : vector<128x256xi32>
        %sign3A = arith.constant 0 : i32
        %sign3A_69 = vector.broadcast %sign3A : i32 to vector<128x256xi32>
        %sign3A_70 = arith.cmpi sgt, %iota3A_67, %sign3A_69 : vector<128x256xi32>
        %sign3A_71 = arith.extui %sign3A_70 : vector<128x256xi1> to vector<128x256xi32>
        %sign3A_72 = arith.constant 0 : i32
        %sign3A_73 = vector.broadcast %sign3A_72 : i32 to vector<128x256xi32>
        %sign3A_74 = arith.cmpi slt, %iota3A_67, %sign3A_73 : vector<128x256xi32>
        %sign3A_75 = arith.extui %sign3A_74 : vector<128x256xi1> to vector<128x256xi32>
        %sign3A_76 = arith.subi %sign3A_71, %sign3A_75 : vector<128x256xi32>
        %sign3A_77 = arith.constant 0 : i32
        %sign3A_78 = arith.cmpi sgt, %jit3A, %sign3A_77 : i32
        %sign3A_79 = arith.extui %sign3A_78 : i1 to i32
        %sign3A_80 = arith.constant 0 : i32
        %sign3A_81 = arith.cmpi slt, %jit3A, %sign3A_80 : i32
        %sign3A_82 = arith.extui %sign3A_81 : i1 to i32
        %sign3A_83 = arith.subi %sign3A_79, %sign3A_82 : i32
        %ne3A = vector.broadcast %sign3A_83 : i32 to vector<128x256xi32>
        %ne3A_84 = arith.cmpi ne, %sign3A_76, %ne3A : vector<128x256xi32>
        %rem3A = vector.broadcast %jit3A : i32 to vector<128x256xi32>
        %rem3A_85 = arith.remsi %iota3A_67, %rem3A : vector<128x256xi32>
        %ne3A_86 = arith.constant 0 : i32
        %ne3A_87 = vector.broadcast %ne3A_86 : i32 to vector<128x256xi32>
        %ne3A_88 = arith.cmpi ne, %rem3A_85, %ne3A_87 : vector<128x256xi32>
        %and3A = arith.andi %ne3A_84, %ne3A_88 : vector<128x256xi1>
        %sub3A = arith.constant 1 : i32
        %sub3A_89 = vector.broadcast %sub3A : i32 to vector<128x256xi32>
        %sub3A_90 = arith.subi %div3A_68, %sub3A_89 : vector<128x256xi32>
        %select_n3A = arith.select %and3A, %sub3A_90, %div3A_68 : vector<128x256xi1>, vector<128x256xi32>
        %eq3A_91 = arith.cmpi eq, %select_n3A, %iota3A : vector<128x256xi32>
        %convert_element_type3A_92 = arith.extui %eq3A_91 : vector<128x256xi1> to vector<128x256xi32>
        %convert_element_type3A_93 = arith.sitofp %convert_element_type3A_92 : vector<128x256xi32> to vector<128x256xf32>
        %get3A_94 = arith.constant 0 : index
        %get3A_95 = arith.constant 0 : index
        %get3A_96 = vector.load %arg17[%get3A_94, %get3A_95] : memref<256x768xf32, #tpu.memory_space<vmem>>, vector<256x768xf32>
        %dot_general3A_97 = arith.constant dense<0.000000e+00> : vector<128x768xf32>
        %dot_general3A_98 = tpu.matmul %convert_element_type3A_93, %get3A_96, %dot_general3A_97 {dimension_numbers = #tpu.dot_dimension_numbers<[1], [0], [0], [1], [0, 0, 1, 1], [], []>, transpose_lhs_hint = false} : vector<128x256xf32>, vector<256x768xf32>, vector<128x768xf32> -> vector<128x768xf32>
        %swap3A = arith.constant 0 : index
        %swap3A_99 = arith.constant 0 : index
        %swap3A_100 = vector.load %arg16[%swap3A, %swap3A_99] : memref<128x768xf32, #tpu.memory_space<vmem>>, vector<128x768xf32>
        tpu.vector_store %arg16[%swap3A, %swap3A_99], %dot_general3A_98 {strides = array<i32>} : memref<128x768xf32, #tpu.memory_space<vmem>>, vector<128x768xf32>,
      } else {
      }
    } else {
    }
    return
  }
  func.func @transform_0(%arg0: i32, %arg1: memref<79xi32, #tpu.memory_space<smem>>, %arg2: memref<79xi32, #tpu.memory_space<smem>>, %arg3: memref<79xi32, #tpu.memory_space<smem>>, %arg4: memref<79xi32, #tpu.memory_space<smem>>, %arg5: memref<79xi32, #tpu.memory_space<smem>>, %arg6: memref<79xi32, #tpu.memory_space<smem>>, %arg7: memref<79xi32, #tpu.memory_space<smem>>, %arg8: memref<79xi32, #tpu.memory_space<smem>>, %arg9: memref<79xi32, #tpu.memory_space<smem>>, %arg10: memref<79xi32, #tpu.memory_space<smem>>, %arg11: memref<79xi32, #tpu.memory_space<smem>>, %arg12: memref<1xi32, #tpu.memory_space<smem>>) -> (i32, i32) {
    %get3A = arith.index_cast %arg0 : i32 to index
    %get3A_0 = memref.load %arg1[%get3A] : memref<79xi32, #tpu.memory_space<smem>>
    %c0_i32 = arith.constant 0 : i32
    %c0_i32_1 = arith.constant 0 : i32
    return %get3A_0, %c0_i32 : i32, i32
  }
  func.func @transform_2(%arg0: i32, %arg1: memref<79xi32, #tpu.memory_space<smem>>, %arg2: memref<79xi32, #tpu.memory_space<smem>>, %arg3: memref<79xi32, #tpu.memory_space<smem>>, %arg4: memref<79xi32, #tpu.memory_space<smem>>, %arg5: memref<79xi32, #tpu.memory_space<smem>>, %arg6: memref<79xi32, #tpu.memory_space<smem>>, %arg7: memref<79xi32, #tpu.memory_space<smem>>, %arg8: memref<79xi32, #tpu.memory_space<smem>>, %arg9: memref<79xi32, #tpu.memory_space<smem>>, %arg10: memref<79xi32, #tpu.memory_space<smem>>, %arg11: memref<79xi32, #tpu.memory_space<smem>>, %arg12: memref<1xi32, #tpu.memory_space<smem>>) -> (i32, i32) {
    %get3A = arith.index_cast %arg0 : i32 to index
    %get3A_0 = memref.load %arg1[%get3A] : memref<79xi32, #tpu.memory_space<smem>>
    %c0_i32 = arith.constant 0 : i32
    %c0_i32_1 = arith.constant 0 : i32
    return %get3A_0, %c0_i32 : i32, i32
  }
  func.func @transform_3(%arg0: i32, %arg1: memref<79xi32, #tpu.memory_space<smem>>, %arg2: memref<79xi32, #tpu.memory_space<smem>>, %arg3: memref<79xi32, #tpu.memory_space<smem>>, %arg4: memref<79xi32, #tpu.memory_space<smem>>, %arg5: memref<79xi32, #tpu.memory_space<smem>>, %arg6: memref<79xi32, #tpu.memory_space<smem>>, %arg7: memref<79xi32, #tpu.memory_space<smem>>, %arg8: memref<79xi32, #tpu.memory_space<smem>>, %arg9: memref<79xi32, #tpu.memory_space<smem>>, %arg10: memref<79xi32, #tpu.memory_space<smem>>, %arg11: memref<79xi32, #tpu.memory_space<smem>>, %arg12: memref<1xi32, #tpu.memory_space<smem>>) -> (i32, i32) {
    %get3A = arith.index_cast %arg0 : i32 to index
    %get3A_0 = memref.load %arg1[%get3A] : memref<79xi32, #tpu.memory_space<smem>>
    %c0_i32 = arith.constant 0 : i32
    %c0_i32_1 = arith.constant 0 : i32
    return %get3A_0, %c0_i32 : i32, i32
  }
}

</mosaic_0001>

<sc_bundles>
// kernel: kernel.4.cloned.1.call-start
scs
__scs_entry_jumppad:
0x0: {  	(pc) =	sbr.rel $0x88, $3  }
0x1: {  	(tag) =	ssettag $0x0;
	lr =	simm.s32 $0x1  }
0x2: {  	[smem:$0x3F9C] =	sst lr;
	_ =	strace $0xD0000000  }
0x3: {  	_ = 	snop  }
0x4: {  	_ = 	snop  }
0x5: {  	_ = 	snop  }
0x6: {  	_ = 	snop  }
0x7: {  	_ = 	snop  }
__scs_overlays_trampoline_lowered:
0x8: {  	[smem:$0x3FAB] =	sst s0  }
0x9: {  	[smem:$0x3FAC] =	sst s1  }
0xa: {  	[smem:$0x3FAD] =	sst s2  }
0xb: {  	[smem:$0x3FAE] =	sst s3  }
0xc: {  	[smem:$0x3FAF] =	sst s4  }
0xd: {  	[smem:$0x3FB0] =	sst s5  }
0xe: {  	[smem:$0x3FB1] =	sst s6  }
0xf: {  	[smem:$0x3FB2] =	sst s7  }
0x10: {  	[smem:$0x3FB3] =	sst s8  }
0x11: {  	[smem:$0x3FB4] =	sst s9;
	s0 =	simm.s32 @!p0 $0x0  }
0x12: {  	s1 =	sld [smem:$0x3F9A];
	s0 =	simm.s32 @p0 $0x1  }
0x13: {  	[smem:$0x3FB5] =	sst s0;
	s0 =	simm.s32 @!p1 $0x0  }
0x14: {  	s2 =	sld [smem:$0x3F99];
	s0 =	simm.s32 @p1 $0x1  }
0x15: {  	[smem:$0x3FB6] =	sst s0;
	s0 =	simm.s32 @!p2 $0x0  }
0x16: {  	s3 =	sld [smem:$0x3FDB];
	s0 =	simm.s32 @p2 $0x1  }
0x17: {  	s4 =	simm.s32 $0x1BF5;
	[smem:$0x3FB8] =	sst s0  }
0x18: {  	s0 =	sld [smem:$0x3F9B];
	_ =	swait.ge [sflag:s4], $0x0  }
0x19: {  	s7 =	sld [smem:$0x3F9C]  }
0x1a: {  	s8 =	sadd.s32 $0xFFFFE003, lr  }
0x1b: {  	s9 =	sadd.s32 $0xFFFFFEF7, lr;
	s5 =	simm.s32 $0xFFFFFFFF;
	p2 =	slt.u32 s8, $0xFFFFF086  }
0x1c: {  	p1 =	slt.u32 s9, $0xF7A;
	s5 =	simm.s32 @!p2 $0x0  }
0x1d: {  	s5 =	simm.s32 @p1 $0x1;
	p0 =	seq.s32 s7, s2  }
0x1e: {  	s7 =	smul.u32 @!p0 $0xF7A, s2;
	p2 =	seq.s32 @!p0 s5, $0x0  }
0x1f: {  	s9 =	smul.u32 $0xF7A, s1;
	s8 =	simm.s32 @!p0 $0x1BF5;
	p2 =	por !p2, p0  }
0x20: {  	[sflag:s8] =	ssyncset.s32 @!p0 $0xFFFFF086;
	s6 =	sadd.s32 @!p0 s3, s7;
	s7 =	simm.s32 @!p0 $0x108  }
0x21: {  	s3 =	sadd.s32 s3, s9;
	s6 =	sadd.s32 @!p0 $0x88, s6;
	s7 =	simm.s32 @p2 $0x1082  }
0x22: {  	[simem:s7], [sflag:s8] =	dma.local @!p0 [hbm:s6], $0xF7A  }
0x23: {  	s9 =	sor.u32 $0xD0000000, s2;
	s6 =	simm.s32 $0x108;
	_ =	swait.ge @!p0 [sflag:s8], $0x0  }
0x24: {  	s3 =	sadd.s32 $0x88, s3;
	s6 =	simm.s32 @!p1 $0x1082;
	[sflag:s4] =	ssyncset.s32 $0xFFFFF086  }
0x25: {  	[simem:s6], [sflag:s4] =	dma.local [hbm:s3], $0xF7A  }
0x26: {  	[smem:$0x3F9C] =	sst s1;
	(tag) =	ssettag s2;
	_ =	strace s9  }
0x27: {  	s1 =	sld [smem:$0x3FAC]  }
0x28: {  	s2 =	sld [smem:$0x3FAD]  }
0x29: {  	s4 =	sld [smem:$0x3FAF]  }
0x2a: {  	p0 =	seq.s32 s5, $0x0;
	s5 =	sld [smem:$0x3FB0]  }
0x2b: {  	s6 =	sld [smem:$0x3FB1]  }
0x2c: {  	s7 =	sld [smem:$0x3FB2]  }
0x2d: {  	s3 =	simm.s32 $0x108;
	s8 =	sld [smem:$0x3FB3]  }
0x2e: {  	s3 =	simm.s32 @!p0 $0x1082;
	s9 =	sld [smem:$0x3FB4]  }
0x2f: {  	lr =	sadd.s32 s0, s3;
	s0 =	sld [smem:$0x3FAB]  }
0x30: {  	s3 =	sld [smem:$0x3FAE]  }
0x31: {  	[smem:$0x3FB7] =	sst s10  }
0x32: {  	s10 =	sld [smem:$0x3FB5];
	_ =	sdelay $0x3  }
0x33: {  	p0 =	seq.s32 s10, $0x1;
	s10 =	sld [smem:$0x3FB7];
	_ =	sdelay $0x3  }
0x34: {  	[smem:$0x3FB7] =	sst s10  }
0x35: {  	s10 =	sld [smem:$0x3FB6];
	_ =	sdelay $0x3  }
0x36: {  	p1 =	seq.s32 s10, $0x1;
	s10 =	sld [smem:$0x3FB7];
	_ =	sdelay $0x3  }
0x37: {  	[smem:$0x3FB7] =	sst s10  }
0x38: {  	s10 =	sld [smem:$0x3FB8]  }
0x39: {  	_ = 	snop;
	(pc) =	sbr.ind lr, $3  }
0x3a: {  	_ = 	snop  }
0x3b: {  	_ = 	snop  }
0x3c: {  	p2 =	seq.s32 s10, $0x1;
	s10 =	sld [smem:$0x3FB7]  }
0x3d: {  	_ =	shalt  }
0x3e: {  	_ =	shalt  }
0x3f: {  	_ =	shalt  }
0x40: {  	_ =	shalt  }
0x41: {  	_ =	shalt  }
0x42: {  	_ =	shalt  }
0x43: {  	_ =	shalt  }
0x44: {  	_ =	shalt  }
0x45: {  	_ =	shalt  }
0x46: {  	_ =	shalt  }
0x47: {  	_ =	shalt  }
0x48: {  	_ =	shalt  }
0x49: {  	_ =	shalt  }
0x4a: {  	_ =	shalt  }
0x4b: {  	_ =	shalt  }
0x4c: {  	_ =	shalt  }
0x4d: {  	_ =	shalt  }
0x4e: {  	_ =	shalt  }
0x4f: {  	_ =	shalt  }
0x50: {  	_ =	shalt  }
0x51: {  	_ =	shalt  }
0x52: {  	_ =	shalt  }
0x53: {  	_ =	shalt  }
0x54: {  	_ =	shalt  }
0x55: {  	_ =	shalt  }
0x56: {  	_ =	shalt  }
0x57: {  	_ =	shalt  }
0x58: {  	_ =	shalt  }
0x59: {  	_ =	shalt  }
0x5a: {  	_ =	shalt  }
0x5b: {  	_ =	shalt  }
0x5c: {  	_ =	shalt  }
0x5d: {  	_ =	shalt  }
0x5e: {  	_ =	shalt  }
0x5f: {  	_ =	shalt  }
0x60: {  	_ =	shalt  }
0x61: {  	_ =	shalt  }
0x62: {  	_ =	shalt  }
0x63: {  	_ =	shalt  }
0x64: {  	_ =	shalt  }
0x65: {  	_ =	shalt  }
0x66: {  	_ =	shalt  }
0x67: {  	_ =	shalt  }
0x68: {  	_ =	shalt  }
0x69: {  	_ =	shalt  }
0x6a: {  	_ =	shalt  }
0x6b: {  	_ =	shalt  }
0x6c: {  	_ =	shalt  }
0x6d: {  	_ =	shalt  }
0x6e: {  	_ =	shalt  }
0x6f: {  	_ =	shalt  }
0x70: {  	_ =	shalt  }
0x71: {  	_ =	shalt  }
0x72: {  	_ =	shalt  }
0x73: {  	_ =	shalt  }
0x74: {  	_ =	shalt  }
0x75: {  	_ =	shalt  }
0x76: {  	_ =	shalt  }
0x77: {  	_ =	shalt  }
0x78: {  	_ =	shalt  }
0x79: {  	_ =	shalt  }
0x7a: {  	_ =	shalt  }
0x7b: {  	_ =	shalt  }
0x7c: {  	_ =	shalt  }
0x7d: {  	_ =	shalt  }
0x7e: {  	_ =	shalt  }
0x7f: {  	_ =	shalt  }
0x80: {  	_ =	shalt  }
0x81: {  	_ =	shalt  }
0x82: {  	_ =	shalt  }
0x83: {  	_ =	shalt  }
0x84: {  	_ =	shalt  }
0x85: {  	_ =	shalt  }
0x86: {  	_ =	shalt  }
0x87: {  	_ =	shalt  }
.Lfunc_end0:
.L_simem_size_0:
called_computation_lowered:
.L_overlay_start_0:
0x88: {  	s2 =	sld [smem:$0x3FD9]  }
0x89: {  	s3 =	sld [smem:$0x3FFE];
	_ =	sdelay $0x1  }
0x8a: {  	s1 =	srdreg.scid  }
0x8b: {  	s0 =	sand.u32 $0x1, s1  }
0x8c: {  	s17 =	sshll.u32 s0, $0xA;
	s2 =	sadd.s32 s3, s2  }
0x8d: {  	s2 =	sadd.s32 s2, s17  }
0x8e: {  	[smem:$0x3FC3] =	sst s2  }
0x8f: {  	_ = 	snop  }
0x90: {  	s2 =	sld [smem:$0x3FC9]  }
0x91: {  	s18 =	sld [smem:$0x3FC6];
	(tm) =	ssettm $0x1  }
0x92: {  	s4 =	sld [smem:$0x3FFB];
	_ =	sdelay $0x3  }
0x93: {  	_ =	strace s4  }
0x94: {  	s4 =	sld [smem:$0x3FFC];
	_ =	sdelay $0x3  }
0x95: {  	_ =	strace s4  }
0x96: {  	s4 =	sld [smem:$0x3FFD];
	_ =	sdelay $0x3  }
0x97: {  	_ =	strace s4  }
0x98: {  	_ =	strace $0x8FFFFFFF  }
0x99: {  	s19 =	sld [smem:$0x3FDB];
	_ =	sdelay $0x1  }
0x9a: {  	s5 =	simm.s32 $_scs_section_size  }
0x9b: {  	s6 =	simm.s32 $_size__tile_overlayer_lowered;
	s7 =	simm.s32 $_tile_overlayer_lowered  }
0x9c: {  	s22 =	simm.s32 $0x1BFF;
	s21 =	sshll.u32 s7, $0x1;
	s4 =	sadd.s32 s5, s19  }
0x9d: {  	s8 =	simm.s32 $0x0;
	s20 =	sshll.u32 s6, $0x1;
	s6 =	sadd.s32 s21, s4  }
0x9e: {  	[timem:s8], [sflag:s22] =	dma.local [hbm:s6], s20  }
0x9f: {  	_ =	swait.ge [sflag:s22], s20  }
0xa0: {  	s5 =	ssub.s32 $0x0, s20;
	[sflag:s22] =	ssyncset.done $0x0  }
0xa1: {  	[sflag:s22] =	ssyncadd.s32 s5;
	_ =	sdelay $0x1  }
0xa2: {  	s23 =	simm.s32 $0x1B8B  }
0xa3: {  	_ =	swait.ge [sflag:s23], $0x1  }
0xa4: {  	[sflag:s23] =	ssyncset.done $0x0  }
0xa5: {  	s25 =	simm.s32 $0x1B8E;
	s24 =	sld [smem:$0x3FFE];
	[sflag:s23] =	ssyncadd.s32 $0xFFFFFFFF  }
0xa6: {  	s26 =	simm.s32 $execute0_lowered;
	[smem:$0x3FD2] =	sst s25  }
0xa7: {  	s6 =	sshll.u32 s26, $0x1;
	_ =	strace $0x80000046;
	[dreg:$0x1] =	wrdreg $0xFFFFFFFF  }
0xa8: {  	s28 =	simm.s32 $_size_execute0_lowered;
	s4 =	sadd.s32 s4, s6;
	[dreg:$0x0] =	wrdreg $0x0  }
0xa9: {  	s6 =	sshll.u32 s28, $0x1;
	[dreg:$0x2] =	wrdreg s4  }
0xaa: {  	[dreg:$0x3] =	wrdreg s6  }
0xab: {  	[dreg:$0x4] =	wrdreg $0xC0  }
0xac: {  	_ =	task [dreg:s8], $0x5FFFF  }
0xad: {  	[dreg:$0x1] =	wrdreg $0xFFFFFFFF  }
0xae: {  	[dreg:$0x0] =	wrdreg $0x60  }
0xaf: {  	[dreg:$0x2] =	wrdreg s2  }
0xb0: {  	[dreg:$0x3] =	wrdreg s18  }
0xb1: {  	[dreg:$0x4] =	wrdreg s24  }
0xb2: {  	[dreg:$0x5] =	wrdreg $0x9  }
0xb3: {  	_ =	task.clear_ibuf [dreg:s8], $0x6FFFF;
	_ =	strace $0x90000046  }
0xb4: {  	s29 =	simm.s32 $0x9;
	_ =	strace $0x80000048  }
0xb5: {  	_ =	swait.ge [sflag:s29], $0x1  }
0xb6: {  	[sflag:s29] =	ssyncadd.s32 $0xFFFFFFFF  }
0xb7: {  	_ =	strace $0x90000048  }
0xb8: {  	_ =	sfence  }
0xb9: {  	s30 =	sld [smem:$0x0];
	_ =	sdelay $0x2  }
0xba: {  	s31 =	sshll.u32 s1, $0xD;
	s1 =	sshrl.u32 s1, $0x2  }
0xbb: {  	s3 =	sand.u32 $0x4000, s31;
	s1 =	sadd.s32 s1, s30  }
0xbc: {  	s0 =	sor.u32 s3, s0;
	s1 =	sshll.u32 s1, $0x11  }
0xbd: {  	s0 =	sor.u32 s1, s0  }
0xbe: {  	s0 =	sadd.s32 $0x8F2B, s0  }
0xbf: {  	[sflag:s0] =	ssyncadd.remote.s32 $0x1  }
0xc0: {  	_ =	sfence.sel $0xFFFF  }
0xc1: {  	[dreg:$0x0] =	wrdreg $0xFFFFFFFF;
	(pc) =	sbr.abs _section_cstart, $3  }
0xc2: {  	[dreg:$0x1] =	wrdreg $0xFFFFFFFF  }
0xc3: {  	_ =	task.clear_ibuf [dreg:s8], $0x2FFFF;
	_ =	strace $0x9FFFFFFF  }
0xc4: {  	(tm) =	ssettm $0x7FFFFFFF  }
0xc5: {  	_ =	shalt  }
tec
execute0_lowered:
.L_overlay_start_1:
0x0: {  	(tag) =	ssettag $0x1  }
0x1: {  	s1 =	rddreg [dreg:$0x0]  }
0x2: {  	s4 =	rddreg [dreg:$0x1]  }
0x3: {  	s5 =	rddreg [dreg:$0x2];
	s3 =	simm.s32 $0x0  }
0x4: {  	s24 =	simm.s32 $0x900;
	[smem:$0x7FF] =	sst s3  }
0x5: {  	s25 =	simm.s32 $0x1100;
	_ =	strace $0x80000047;
	[dreg:$0x6] =	wrdreg s24  }
0x6: {  	s0 =	stileid.u32;
	s26 =	simm.s32 $0x1900;
	[dreg:$0x7] =	wrdreg s25  }
0x7: {  	s6 =	sshll.u32 s0, $0x5;
	s0 =	simm.s32 $0x2100;
	[dreg:$0x8] =	wrdreg s26  }
0x8: {  	s8 =	simm.s32 $0x4100;
	[dreg:$0x9] =	wrdreg s0  }
0x9: {  	s9 =	simm.s32 $0x4900;
	[dreg:$0xd] =	wrdreg s8  }
0xa: {  	s10 =	simm.s32 $0x5100;
	[dreg:$0xe] =	wrdreg s9  }
0xb: {  	s11 =	simm.s32 $0x5900;
	[dreg:$0xf] =	wrdreg s10  }
0xc: {  	s12 =	simm.s32 $0x6100;
	[dreg:$0x10] =	wrdreg s11  }
0xd: {  	s13 =	simm.s32 $0x6900;
	[dreg:$0x11] =	wrdreg s12  }
0xe: {  	s14 =	simm.s32 $0x7100;
	[dreg:$0x12] =	wrdreg s13  }
0xf: {  	s15 =	simm.s32 $0x7900;
	[dreg:$0x13] =	wrdreg s14  }
0x10: {  	s2 =	srdreg.scid;
	s16 =	simm.s32 $0x8100;
	[dreg:$0x14] =	wrdreg s15  }
0x11: {  	s17 =	simm.s32 $0x8900;
	s18 =	simm.s32 $0x9100;
	[dreg:$0x15] =	wrdreg s16  }
0x12: {  	s20 =	simm.s32 $0x9900;
	s21 =	simm.s32 $0xA100;
	[dreg:$0x16] =	wrdreg s17  }
0x13: {  	s22 =	simm.s32 $0xA900;
	s28 =	simm.s32 $0x16100;
	[dreg:$0x17] =	wrdreg s18  }
0x14: {  	s29 =	simm.s32 $0x16900;
	s30 =	simm.s32 $0x17100;
	[dreg:$0x18] =	wrdreg s20  }
0x15: {  	s31 =	simm.s32 $0x17900;
	s2 =	sand.u32 $0x1, s2;
	[dreg:$0x19] =	wrdreg s21  }
0x16: {  	s7 =	sshll.u32 s2, $0x4;
	s2 =	ssub.s32 $0x2, s2;
	[dreg:$0x1a] =	wrdreg s22  }
0x17: {  	s24 =	simm.s32 $0xB900;
	s25 =	simm.s32 $0xC100;
	s8 =	simm.s32 $0x100  }
0x18: {  	s26 =	simm.s32 $0xC900;
	s10 =	simm.s32 $0xD900;
	s11 =	simm.s32 $0xE100  }
0x19: {  	s12 =	simm.s32 $0xE900;
	s13 =	simm.s32 $0xF100;
	s14 =	simm.s32 $0xF900  }
0x1a: {  	s15 =	simm.s32 $0x10100;
	s16 =	simm.s32 $0x10900;
	s17 =	simm.s32 $0x11100  }
0x1b: {  	s18 =	simm.s32 $0x11900;
	s20 =	simm.s32 $0x12900;
	[dreg:$0x1c] =	wrdreg s24  }
0x1c: {  	s21 =	simm.s32 $0x13100;
	s22 =	simm.s32 $0x13900;
	[dreg:$0x1d] =	wrdreg s25  }
0x1d: {  	s6 =	sor.u32 s7, s6;
	s19 =	sshrl.u32 s2, $0x1;
	[dreg:$0x1e] =	wrdreg s26  }
0x1e: {  	s24 =	simm.s32 $0x14900;
	s25 =	simm.s32 $0x15100;
	s26 =	simm.s32 $0x15900  }
0x1f: {  	s7 =	smul.u32 $0x300, s6;
	s4 =	sadd.s32 s4, s6;
	s6 =	simm.s32 $0x3100  }
0x20: {  	s2 =	ssub.s32 s2, s19;
	s19 =	simm.s32 $0x12100;
	[dreg:$0x4] =	wrdreg s4  }
0x21: {  	[dreg:$0xb] =	wrdreg s6;
	s4 =	sadd.s32 $0x100, s1;
	s23 =	sadd.s32 s5, s7  }
0x22: {  	s6 =	smax.u32 s2, $0x1;
	s5 =	simm.s32 $0x2900;
	[dreg:$0x5] =	wrdreg s23  }
0x23: {  	v2 =	vlaneseq.u32;
	s2 =	simm.s32 $0x1;
	s7 =	simm.s32 $0x3900;
	[dreg:$0xa] =	wrdreg s5  }
0x24: {  	vm0 =	vmmov $0xffff;
	v1 =	vshrl.u32 v2, $0x3;
	[dreg:$0xc] =	wrdreg s7;
	s5 =	sadd.s32 $0x200, s1;
	s23 =	simm.s32 $0xB100  }
0x25: {  	v0 =	vand.u32 $0x7, v2;
	v2 =	vor.u32 $0x8, v2;
	v1 =	vmul.u32 $0x8, v1;
	s7 =	simm.s32 $0x2;
	[dreg:$0x1b] =	wrdreg s23;
	s23 =	simm.s32 $0x14100  }
.LBB2_1:
0x26: {  	s0 =	rddreg [dreg:$0x4]  }
0x27: {  	[tilespmem:s3], [sflag:$0x2] =	stream.linear.gather [hbm4b:s0+s3], $0x80, $0x38;
	[tilespmem:$0x18100] =	vst v63  }
0x28: {  	_ =	swait.ge [sflag:s7], $0x80  }
0x29: {  	[sflag:s7] =	ssyncset.done $0x0  }
0x2a: {  	[sflag:s7] =	ssyncadd.s32 $0xFFFFFF80  }
0x2b: {  	v3 =	vld [tilespmem:$0x0];
	_ =	sdelay $0x2  }
0x2c: {  	v4 =	vld [tilespmem:$0x10]  }
0x2d: {  	v5 =	vld [tilespmem:$0x20]  }
0x2e: {  	v6 =	vld [tilespmem:$0x30];
	v7 =	vshrl.u32 v3, $0x4  }
0x2f: {  	v8 =	vld [tilespmem:$0x40];
	v3 =	vshrl.u32 v3, $0x1;
	v7 =	vmul.u32 $0x30, v7  }
0x30: {  	v9 =	vld [tilespmem:$0x50];
	v10 =	vand.u32 $0x7, v3  }
0x31: {  	v54 =	vld [tilespmem:$0x60];
	[tilespmem:$0x80] =	vst v3;
	v3 =	vshrl.u32 v4, $0x1;
	v7 =	vor.u32 v10, v7  }
0x32: {  	v55 =	vld [tilespmem:$0x70];
	[tilespmem:$0x90] =	vst v3;
	v3 =	vshrl.u32 v5, $0x1;
	v10 =	vperm.xlane v7, v0  }
0x33: {  	[tilespmem:$0xA0] =	vst v3;
	v3 =	vshrl.u32 v6, $0x1  }
0x34: {  	[tilespmem:$0xB0] =	vst v3;
	v3 =	vshrl.u32 v8, $0x1;
	v56 =	vadd.s32 v1, v10  }
0x35: {  	[tilespmem:$0xC0] =	vst v3;
	v3 =	vshrl.u32 v9, $0x1  }
0x36: {  	[tilespmem:$0xD0] =	vst v3;
	v3 =	vshrl.u32 v54, $0x1  }
0x37: {  	[tilespmem:$0xE0] =	vst v3;
	v3 =	vshrl.u32 v55, $0x1  }
0x38: {  	[tilespmem:$0xF0] =	vst v3;
	v3 =	vperm.xlane v7, v2  }
0x39: {  	[tilespmem:s8], [sflag:$0x1] =	stream.indirect_vreg.gather [hbm4b:s1+s3], $0x80, v56, vm0, $0xb8;
	[tilespmem:$0x18100] =	vst v63  }
0x3a: {  	s0 =	rddreg [dreg:$0x6];
	v3 =	vadd.s32 v1, v3  }
0x3b: {  	[tilespmem:s0], [sflag:$0x1] =	stream.indirect_vreg.gather [hbm4b:s4+s3], $0x80, v56, vm0, $0xb8;
	[tilespmem:$0x18100] =	vst v63  }
0x3c: {  	s9 =	rddreg [dreg:$0x7]  }
0x3d: {  	[tilespmem:s9], [sflag:$0x1] =	stream.indirect_vreg.gather [hbm4b:s5+s3], $0x80, v56, vm0, $0xb8;
	[tilespmem:$0x18100] =	vst v63  }
0x3e: {  	s0 =	rddreg [dreg:$0x8]  }
0x3f: {  	[tilespmem:s0], [sflag:$0x1] =	stream.indirect_vreg.gather [hbm4b:s1+s3], $0x80, v3, vm0, $0xb8;
	[tilespmem:$0x18100] =	vst v63  }
0x40: {  	s9 =	rddreg [dreg:$0x9]  }
0x41: {  	[tilespmem:s9], [sflag:$0x1] =	stream.indirect_vreg.gather [hbm4b:s4+s3], $0x80, v3, vm0, $0xb8;
	[tilespmem:$0x18100] =	vst v63  }
0x42: {  	s0 =	rddreg [dreg:$0xa]  }
0x43: {  	[tilespmem:s0], [sflag:$0x1] =	stream.indirect_vreg.gather [hbm4b:s5+s3], $0x80, v3, vm0, $0xb8;
	[tilespmem:$0x18100] =	vst v63  }
0x44: {  	v3 =	vld [tilespmem:$0x90];
	_ =	sdelay $0x4  }
0x45: {  	v57 =	vshrl.u32 v3, $0x3  }
0x46: {  	v4 =	vmul.u32 $0x30, v57  }
0x47: {  	v3 =	vand.u32 $0x7, v3  }
0x48: {  	v3 =	vor.u32 v3, v4  }
0x49: {  	v4 =	vperm.xlane v3, v0;
	_ =	sdelay $0x1  }
0x4a: {  	v4 =	vadd.s32 v1, v4;
	_ =	sdelay $0x3  }
0x4b: {  	s0 =	rddreg [dreg:$0xb];
	v3 =	vperm.xlane v3, v2  }
0x4c: {  	[tilespmem:s0], [sflag:$0x1] =	stream.indirect_vreg.gather [hbm4b:s1+s3], $0x80, v4, vm0, $0xb8;
	[tilespmem:$0x18100] =	vst v63  }
0x4d: {  	s9 =	rddreg [dreg:$0xc];
	v3 =	vadd.s32 v1, v3  }
0x4e: {  	[tilespmem:s9], [sflag:$0x1] =	stream.indirect_vreg.gather [hbm4b:s4+s3], $0x80, v4, vm0, $0xb8;
	[tilespmem:$0x18100] =	vst v63  }
0x4f: {  	s0 =	rddreg [dreg:$0xd]  }
0x50: {  	[tilespmem:s0], [sflag:$0x1] =	stream.indirect_vreg.gather [hbm4b:s5+s3], $0x80, v4, vm0, $0xb8;
	[tilespmem:$0x18100] =	vst v63  }
0x51: {  	s9 =	rddreg [dreg:$0xe]  }
0x52: {  	[tilespmem:s9], [sflag:$0x1] =	stream.indirect_vreg.gather [hbm4b:s1+s3], $0x80, v3, vm0, $0xb8;
	[tilespmem:$0x18100] =	vst v63  }
0x53: {  	s0 =	rddreg [dreg:$0xf]  }
0x54: {  	[tilespmem:s0], [sflag:$0x1] =	stream.indirect_vreg.gather [hbm4b:s4+s3], $0x80, v3, vm0, $0xb8;
	[tilespmem:$0x18100] =	vst v63  }
0x55: {  	s9 =	rddreg [dreg:$0x10]  }
0x56: {  	[tilespmem:s9], [sflag:$0x1] =	stream.indirect_vreg.gather [hbm4b:s5+s3], $0x80, v3, vm0, $0xb8;
	[tilespmem:$0x18100] =	vst v63  }
0x57: {  	v3 =	vld [tilespmem:$0xA0];
	_ =	sdelay $0x4  }
0x58: {  	v58 =	vshrl.u32 v3, $0x3  }
0x59: {  	v4 =	vmul.u32 $0x30, v58  }
0x5a: {  	v3 =	vand.u32 $0x7, v3  }
0x5b: {  	v3 =	vor.u32 v3, v4  }
0x5c: {  	v4 =	vperm.xlane v3, v0;
	_ =	sdelay $0x1  }
0x5d: {  	v4 =	vadd.s32 v1, v4;
	_ =	sdelay $0x3  }
0x5e: {  	s0 =	rddreg [dreg:$0x11];
	v3 =	vperm.xlane v3, v2  }
0x5f: {  	[tilespmem:s0], [sflag:$0x1] =	stream.indirect_vreg.gather [hbm4b:s1+s3], $0x80, v4, vm0, $0xb8;
	[tilespmem:$0x18100] =	vst v63  }
0x60: {  	s9 =	rddreg [dreg:$0x12];
	v3 =	vadd.s32 v1, v3  }
0x61: {  	[tilespmem:s9], [sflag:$0x1] =	stream.indirect_vreg.gather [hbm4b:s4+s3], $0x80, v4, vm0, $0xb8;
	[tilespmem:$0x18100] =	vst v63  }
0x62: {  	s0 =	rddreg [dreg:$0x13]  }
0x63: {  	[tilespmem:s0], [sflag:$0x1] =	stream.indirect_vreg.gather [hbm4b:s5+s3], $0x80, v4, vm0, $0xb8;
	[tilespmem:$0x18100] =	vst v63  }
0x64: {  	s9 =	rddreg [dreg:$0x14]  }
0x65: {  	[tilespmem:s9], [sflag:$0x1] =	stream.indirect_vreg.gather [hbm4b:s1+s3], $0x80, v3, vm0, $0xb8;
	[tilespmem:$0x18100] =	vst v63  }
0x66: {  	s0 =	rddreg [dreg:$0x15]  }
0x67: {  	[tilespmem:s0], [sflag:$0x1] =	stream.indirect_vreg.gather [hbm4b:s4+s3], $0x80, v3, vm0, $0xb8;
	[tilespmem:$0x18100] =	vst v63  }
0x68: {  	s9 =	rddreg [dreg:$0x16]  }
0x69: {  	[tilespmem:s9], [sflag:$0x1] =	stream.indirect_vreg.gather [hbm4b:s5+s3], $0x80, v3, vm0, $0xb8;
	[tilespmem:$0x18100] =	vst v63  }
0x6a: {  	v3 =	vld [tilespmem:$0xB0];
	_ =	sdelay $0x4  }
0x6b: {  	v59 =	vshrl.u32 v3, $0x3  }
0x6c: {  	v4 =	vmul.u32 $0x30, v59  }
0x6d: {  	v3 =	vand.u32 $0x7, v3  }
0x6e: {  	v3 =	vor.u32 v3, v4  }
0x6f: {  	v4 =	vperm.xlane v3, v0;
	_ =	sdelay $0x1  }
0x70: {  	v4 =	vadd.s32 v1, v4;
	_ =	sdelay $0x3  }
0x71: {  	s0 =	rddreg [dreg:$0x17];
	v3 =	vperm.xlane v3, v2  }
0x72: {  	[tilespmem:s0], [sflag:$0x1] =	stream.indirect_vreg.gather [hbm4b:s1+s3], $0x80, v4, vm0, $0xb8;
	[tilespmem:$0x18100] =	vst v63  }
0x73: {  	s9 =	rddreg [dreg:$0x18];
	v3 =	vadd.s32 v1, v3  }
0x74: {  	[tilespmem:s9], [sflag:$0x1] =	stream.indirect_vreg.gather [hbm4b:s4+s3], $0x80, v4, vm0, $0xb8;
	[tilespmem:$0x18100] =	vst v63  }
0x75: {  	s0 =	rddreg [dreg:$0x19]  }
0x76: {  	[tilespmem:s0], [sflag:$0x1] =	stream.indirect_vreg.gather [hbm4b:s5+s3], $0x80, v4, vm0, $0xb8;
	[tilespmem:$0x18100] =	vst v63  }
0x77: {  	s9 =	rddreg [dreg:$0x1a]  }
0x78: {  	[tilespmem:s9], [sflag:$0x1] =	stream.indirect_vreg.gather [hbm4b:s1+s3], $0x80, v3, vm0, $0xb8;
	[tilespmem:$0x18100] =	vst v63  }
0x79: {  	s0 =	rddreg [dreg:$0x1b]  }
0x7a: {  	[tilespmem:s0], [sflag:$0x1] =	stream.indirect_vreg.gather [hbm4b:s4+s3], $0x80, v3, vm0, $0xb8;
	[tilespmem:$0x18100] =	vst v63  }
0x7b: {  	s9 =	rddreg [dreg:$0x1c]  }
0x7c: {  	[tilespmem:s9], [sflag:$0x1] =	stream.indirect_vreg.gather [hbm4b:s5+s3], $0x80, v3, vm0, $0xb8;
	[tilespmem:$0x18100] =	vst v63  }
0x7d: {  	v3 =	vld [tilespmem:$0xC0];
	_ =	sdelay $0x4  }
0x7e: {  	v60 =	vshrl.u32 v3, $0x3  }
0x7f: {  	v4 =	vmul.u32 $0x30, v60  }
0x80: {  	v3 =	vand.u32 $0x7, v3  }
0x81: {  	v3 =	vor.u32 v3, v4  }
0x82: {  	v4 =	vperm.xlane v3, v0;
	_ =	sdelay $0x1  }
0x83: {  	v4 =	vadd.s32 v1, v4;
	_ =	sdelay $0x3  }
0x84: {  	s0 =	rddreg [dreg:$0x1d];
	v3 =	vperm.xlane v3, v2  }
0x85: {  	[tilespmem:s0], [sflag:$0x1] =	stream.indirect_vreg.gather [hbm4b:s1+s3], $0x80, v4, vm0, $0xb8;
	[tilespmem:$0x18100] =	vst v63  }
0x86: {  	s9 =	rddreg [dreg:$0x1e];
	v3 =	vadd.s32 v1, v3  }
0x87: {  	[tilespmem:s9], [sflag:$0x1] =	stream.indirect_vreg.gather [hbm4b:s4+s3], $0x80, v4, vm0, $0xb8;
	[tilespmem:$0x18100] =	vst v63  }
0x88: {  	s9 =	simm.s32 $0xD100  }
0x89: {  	[tilespmem:s9], [sflag:$0x1] =	stream.indirect_vreg.gather [hbm4b:s5+s3], $0x80, v4, vm0, $0xb8;
	[tilespmem:$0x18100] =	vst v63  }
0x8a: {  	_ = 	snop  }
0x8b: {  	[tilespmem:s10], [sflag:$0x1] =	stream.indirect_vreg.gather [hbm4b:s1+s3], $0x80, v3, vm0, $0xb8;
	[tilespmem:$0x18100] =	vst v63  }
0x8c: {  	_ = 	snop  }
0x8d: {  	[tilespmem:s11], [sflag:$0x1] =	stream.indirect_vreg.gather [hbm4b:s4+s3], $0x80, v3, vm0, $0xb8;
	[tilespmem:$0x18100] =	vst v63  }
0x8e: {  	_ = 	snop  }
0x8f: {  	[tilespmem:s12], [sflag:$0x1] =	stream.indirect_vreg.gather [hbm4b:s5+s3], $0x80, v3, vm0, $0xb8;
	[tilespmem:$0x18100] =	vst v63  }
0x90: {  	v3 =	vld [tilespmem:$0xD0];
	_ =	sdelay $0x4  }
0x91: {  	v61 =	vshrl.u32 v3, $0x3  }
0x92: {  	v4 =	vmul.u32 $0x30, v61  }
0x93: {  	v3 =	vand.u32 $0x7, v3  }
0x94: {  	v3 =	vor.u32 v3, v4  }
0x95: {  	v4 =	vperm.xlane v3, v0;
	_ =	sdelay $0x1  }
0x96: {  	v4 =	vadd.s32 v1, v4;
	_ =	sdelay $0x3  }
0x97: {  	v3 =	vperm.xlane v3, v2  }
0x98: {  	[tilespmem:s13], [sflag:$0x1] =	stream.indirect_vreg.gather [hbm4b:s1+s3], $0x80, v4, vm0, $0xb8;
	[tilespmem:$0x18100] =	vst v63  }
0x99: {  	v3 =	vadd.s32 v1, v3  }
0x9a: {  	[tilespmem:s14], [sflag:$0x1] =	stream.indirect_vreg.gather [hbm4b:s4+s3], $0x80, v4, vm0, $0xb8;
	[tilespmem:$0x18100] =	vst v63  }
0x9b: {  	_ = 	snop  }
0x9c: {  	[tilespmem:s15], [sflag:$0x1] =	stream.indirect_vreg.gather [hbm4b:s5+s3], $0x80, v4, vm0, $0xb8;
	[tilespmem:$0x18100] =	vst v63  }
0x9d: {  	_ = 	snop  }
0x9e: {  	[tilespmem:s16], [sflag:$0x1] =	stream.indirect_vreg.gather [hbm4b:s1+s3], $0x80, v3, vm0, $0xb8;
	[tilespmem:$0x18100] =	vst v63  }
0x9f: {  	_ = 	snop  }
0xa0: {  	[tilespmem:s17], [sflag:$0x1] =	stream.indirect_vreg.gather [hbm4b:s4+s3], $0x80, v3, vm0, $0xb8;
	[tilespmem:$0x18100] =	vst v63  }
0xa1: {  	_ = 	snop  }
0xa2: {  	[tilespmem:s18], [sflag:$0x1] =	stream.indirect_vreg.gather [hbm4b:s5+s3], $0x80, v3, vm0, $0xb8;
	[tilespmem:$0x18100] =	vst v63  }
0xa3: {  	v3 =	vld [tilespmem:$0xE0];
	_ =	sdelay $0x4  }
0xa4: {  	v62 =	vshrl.u32 v3, $0x3  }
0xa5: {  	v4 =	vmul.u32 $0x30, v62  }
0xa6: {  	v3 =	vand.u32 $0x7, v3  }
0xa7: {  	v3 =	vor.u32 v3, v4  }
0xa8: {  	v4 =	vperm.xlane v3, v0;
	_ =	sdelay $0x1  }
0xa9: {  	v4 =	vadd.s32 v1, v4;
	_ =	sdelay $0x3  }
0xaa: {  	v3 =	vperm.xlane v3, v2  }
0xab: {  	[tilespmem:s19], [sflag:$0x1] =	stream.indirect_vreg.gather [hbm4b:s1+s3], $0x80, v4, vm0, $0xb8;
	[tilespmem:$0x18100] =	vst v63  }
0xac: {  	v3 =	vadd.s32 v1, v3  }
0xad: {  	[tilespmem:s20], [sflag:$0x1] =	stream.indirect_vreg.gather [hbm4b:s4+s3], $0x80, v4, vm0, $0xb8;
	[tilespmem:$0x18100] =	vst v63  }
0xae: {  	_ = 	snop  }
0xaf: {  	[tilespmem:s21], [sflag:$0x1] =	stream.indirect_vreg.gather [hbm4b:s5+s3], $0x80, v4, vm0, $0xb8;
	[tilespmem:$0x18100] =	vst v63  }
0xb0: {  	_ = 	snop  }
0xb1: {  	[tilespmem:s22], [sflag:$0x1] =	stream.indirect_vreg.gather [hbm4b:s1+s3], $0x80, v3, vm0, $0xb8;
	[tilespmem:$0x18100] =	vst v63  }
0xb2: {  	_ = 	snop  }
0xb3: {  	[tilespmem:s23], [sflag:$0x1] =	stream.indirect_vreg.gather [hbm4b:s4+s3], $0x80, v3, vm0, $0xb8;
	[tilespmem:$0x18100] =	vst v63  }
0xb4: {  	_ = 	snop  }
0xb5: {  	[tilespmem:s24], [sflag:$0x1] =	stream.indirect_vreg.gather [hbm4b:s5+s3], $0x80, v3, vm0, $0xb8;
	[tilespmem:$0x18100] =	vst v63  }
0xb6: {  	v3 =	vld [tilespmem:$0xF0];
	_ =	sdelay $0x4  }
0xb7: {  	v63 =	vshrl.u32 v3, $0x3  }
0xb8: {  	v4 =	vmul.u32 $0x30, v63  }
0xb9: {  	v3 =	vand.u32 $0x7, v3  }
0xba: {  	v3 =	vor.u32 v3, v4  }
0xbb: {  	v4 =	vperm.xlane v3, v0;
	_ =	sdelay $0x1  }
0xbc: {  	v4 =	vadd.s32 v1, v4;
	_ =	sdelay $0x3  }
0xbd: {  	v3 =	vperm.xlane v3, v2  }
0xbe: {  	[tilespmem:s25], [sflag:$0x1] =	stream.indirect_vreg.gather [hbm4b:s1+s3], $0x80, v4, vm0, $0xb8;
	[tilespmem:$0x18100] =	vst v63  }
0xbf: {  	v3 =	vadd.s32 v1, v3  }
0xc0: {  	[tilespmem:s26], [sflag:$0x1] =	stream.indirect_vreg.gather [hbm4b:s4+s3], $0x80, v4, vm0, $0xb8;
	[tilespmem:$0x18100] =	vst v63  }
0xc1: {  	_ = 	snop  }
0xc2: {  	[tilespmem:s28], [sflag:$0x1] =	stream.indirect_vreg.gather [hbm4b:s5+s3], $0x80, v4, vm0, $0xb8;
	[tilespmem:$0x18100] =	vst v63  }
0xc3: {  	_ = 	snop  }
0xc4: {  	[tilespmem:s29], [sflag:$0x1] =	stream.indirect_vreg.gather [hbm4b:s1+s3], $0x80, v3, vm0, $0xb8;
	[tilespmem:$0x18100] =	vst v63  }
0xc5: {  	_ = 	snop  }
0xc6: {  	[tilespmem:s30], [sflag:$0x1] =	stream.indirect_vreg.gather [hbm4b:s4+s3], $0x80, v3, vm0, $0xb8;
	[tilespmem:$0x18100] =	vst v63  }
0xc7: {  	_ = 	snop  }
0xc8: {  	[tilespmem:s31], [sflag:$0x1] =	stream.indirect_vreg.gather [hbm4b:s5+s3], $0x80, v3, vm0, $0xb8;
	[tilespmem:$0x18100] =	vst v63  }
0xc9: {  	_ =	swait.ge [sflag:s2], $0x18000  }
0xca: {  	p0 =	sne.s32 s6, $0x1;
	[sflag:s2] =	ssyncset.done $0x0  }
.Ltmp0:
0xcb: {  	s9 =	rddreg [dreg:$0x5];
	[sflag:s2] =	ssyncadd.s32 $0xFFFE8000;
	(pc) =	sbr.rel @p0 .LBB2_1-.Ltmp0, $4  }
0xcc: {  	[hbm4b:s9+s3] =	stream.linear.scatter [tilespmem:s8], [sflag:$0x2], $0x18000, $0x38;
	[tilespmem:$0x18100] =	vst v63  }
0xcd: {  	_ =	swait.ge [sflag:s7], $0x18000  }
0xce: {  	[sflag:s7] =	ssyncset.done $0x0  }
0xcf: {  	s6 =	sadd.s32 $0xFFFFFFFF, s6;
	[sflag:s7] =	ssyncadd.s32 $0xFFFE8000  }
0xd0: {  	_ =	sfence.sel $0x180000  }
0xd1: {  	[bflag:$0x0] =	sbarrier.arrive $0xFFFF  }
0xd2: {  	_ =	strace $0x90000047  }
0xd3: {  	s0 =	stileid.u32;
	[bflag:$0x2] =	sbarrier.arrive $0xFFFF  }
0xd4: {  	p0 =	sne.s32 s0, $0x0;
	s0 =	rddreg [dreg:$0x3]  }
0xd5: {  	s0 =	sadd.s32 @!p0 $0x100000, s0  }
0xd6: {  	[sflag:s0] =	ssyncadd.tile.s32 @!p0 $0x1;
	_ =	shalt  }
.Lfunc_end2:
_tile_overlayer_lowered:
.L_overlay_start_2:
0xd7: {  	(tag) =	ssettag $0x2  }
0xd8: {  	s0 =	rddreg [dreg:$0x0];
	s2 =	stileid.u32  }
0xd9: {  	s1 =	rddreg [dreg:$0x1];
	p0 =	sne.s32 s2, $0x0  }
0xda: {  	s3 =	rddreg [dreg:$0x2];
	[bflag:$0x3] =	sbarrier.arrive $0xFFFF;
	s2 =	simm.s32 @!p0 $0x1C02  }
0xdb: {  	[timem:s3], [sflag:s2] =	dma.local @!p0 [hbm:s0], s1  }
0xdc: {  	s0 =	simm.s32 @!p0 $0x2  }
0xdd: {  	_ =	swait.ge @!p0 [sflag:s0], s1  }
0xde: {  	s1 =	ssub.s32 @!p0 $0x0, s1;
	[sflag:s0] =	ssyncset.done @!p0 $0x0  }
0xdf: {  	[sflag:s0] =	ssyncadd.s32 @!p0 s1  }
0xe0: {  	[bflag:$0x3] =	sbarrier.arrive $0xFFFF  }
0xe1: {  	_ =	shalt  }

</sc_bundles>
